<compile_context>
chip_gen: v7x
topology: tpu7x:2x2x1
jax: 0.10.2.dev20260603
libtpu: 0.0.44.dev20260713+nightly
codegen_flags: <defaults>
</compile_context>

<pallas_src>
import functools

import jax
import jax.numpy as jnp
from jax import lax
from jax.experimental import pallas as pl
from jax.experimental.pallas import tpu as pltpu
from jax.experimental.pallas import tpu_sc as plsc

E = 8
D = 1024
R = 128
N = 4096
RT = 512
NCH = N // RT
GT = 512
NW = 32
PW = N // NW
GB = 32
NGB = PW // GB


def _argmin_pid(xt, c):
    xn = jnp.sum(xt * xt, axis=1, keepdims=True)
    dots = lax.dot_general(xt, c, (((1,), (1,)), ((), ())),
                           preferred_element_type=jnp.float32)
    cn = jnp.sum(c * c, axis=1)
    d2 = xn - 2.0 * dots + cn[None, :]
    bestv = d2[:, 0:1]
    bestid = jnp.zeros((xt.shape[0], 1), dtype=jnp.int32)
    for e in range(1, E):
        v = d2[:, e:e + 1]
        take = v < bestv
        bestid = jnp.where(take, e, bestid)
        bestv = jnp.where(take, v, bestv)
    return bestid


def _route_body(x_ref, c_ref, uall_ref, hsel_ref, dest_ref, offs_ref, c_s):
    i = pl.program_id(0)
    xt = x_ref[...]
    bestid = _argmin_pid(xt, c_ref[...])
    onehot = (bestid == lax.broadcasted_iota(jnp.int32, (1, E), 1))
    c_s[pl.ds(i * RT, RT), :] = onehot.astype(jnp.float32)
    h = lax.dot_general(xt, uall_ref[...], (((1,), (0,)), ((), ())),
                        preferred_element_type=jnp.float32)
    hsel = jnp.zeros((RT, R), jnp.float32)
    for e in range(E):
        m = (bestid == e).astype(jnp.float32)
        hsel = hsel + h[:, e * R:(e + 1) * R] * m
    hsel_ref[...] = hsel

    @pl.when(i == NCH - 1)
    def _finalize():
        hi = lax.Precision.HIGHEST
        ccat = jnp.concatenate(
            [c_s[ch * RT:(ch + 1) * RT, :] for ch in range(NCH)], axis=1)
        r0 = lax.broadcasted_iota(jnp.int32, (RT, RT), 0)
        r1 = lax.broadcasted_iota(jnp.int32, (RT, RT), 1)
        tlow = jnp.where(r0 >= r1, 1.0, 0.0)
        incl = lax.dot_general(tlow, ccat, (((1,), (0,)), ((), ())),
                               preferred_element_type=jnp.float32)
        tot = incl[RT - 1:RT, :]
        li = lax.broadcasted_iota(jnp.int32, (NCH * E, NCH * E), 0)
        lj = lax.broadcasted_iota(jnp.int32, (NCH * E, NCH * E), 1)
        tch = jnp.where((li % E == lj % E) & (li // E < lj // E), 1.0, 0.0)
        prior = lax.dot_general(tot, tch, (((1,), (0,)), ((), ())),
                                preferred_element_type=jnp.float32,
                                precision=hi)
        gincl = incl + prior
        si = lax.broadcasted_iota(jnp.int32, (NCH * E, E), 0)
        sj = lax.broadcasted_iota(jnp.int32, (NCH * E, E), 1)
        counts = lax.dot_general(
            tot, jnp.where(si % E == sj, 1.0, 0.0), (((1,), (0,)), ((), ())),
            preferred_element_type=jnp.float32, precision=hi)
        bi = lax.broadcasted_iota(jnp.int32, (E, NCH * E), 0)
        bj = lax.broadcasted_iota(jnp.int32, (E, NCH * E), 1)
        starts64 = lax.dot_general(
            counts, jnp.where(bi < bj % E, 1.0, 0.0), (((1,), (0,)), ((), ())),
            preferred_element_type=jnp.float32, precision=hi)
        d64 = ccat * (starts64 + gincl - 1.0)
        gi = lax.broadcasted_iota(jnp.int32, (NCH * E, 128), 0)
        gj = lax.broadcasted_iota(jnp.int32, (NCH * E, 128), 1)
        dest = lax.dot_general(
            d64, jnp.where(gi // E == gj, 1.0, 0.0), (((1,), (0,)), ((), ())),
            preferred_element_type=jnp.float32, precision=hi)
        dest_ref[...] = dest.astype(jnp.int32)
        oi = lax.broadcasted_iota(jnp.int32, (E, 128), 0)
        oj = lax.broadcasted_iota(jnp.int32, (E, 128), 1)
        omat = jnp.where((oj < E) & (oi < oj % E), 1.0, 0.0) + \
            jnp.where((oj >= E) & (oj < 2 * E) & (oi <= oj % E), 1.0, 0.0)
        offs = lax.dot_general(counts, omat, (((1,), (0,)), ((), ())),
                               preferred_element_type=jnp.float32,
                               precision=hi)
        offs_ref[...] = offs.astype(jnp.int32)


def _route(xf, centroids, U_all):
    return pl.pallas_call(
        _route_body,
        grid=(NCH,),
        in_specs=[
            pl.BlockSpec((RT, D), lambda i: (i, 0)),
            pl.BlockSpec((E, D), lambda i: (0, 0)),
            pl.BlockSpec((D, E * R), lambda i: (0, 0)),
        ],
        out_specs=[
            pl.BlockSpec((RT, R), lambda i: (i, 0)),
            pl.BlockSpec((RT, 128), lambda i: (0, 0)),
            pl.BlockSpec((1, 128), lambda i: (0, 0)),
        ],
        out_shape=[
            jax.ShapeDtypeStruct((N, R), jnp.float32),
            jax.ShapeDtypeStruct((RT, 128), jnp.int32),
            jax.ShapeDtypeStruct((1, 128), jnp.int32),
        ],
        scratch_shapes=[pltpu.VMEM((N, E), jnp.float32)],
    )(xf, centroids, U_all)


@functools.cache
def _scatter_h_kernel():
    mesh = plsc.VectorSubcoreMesh(core_axis_name="c", subcore_axis_name="s")

    @functools.partial(
        pl.kernel, mesh=mesh,
        out_type=jax.ShapeDtypeStruct((N, R), jnp.float32),
        scratch_types=[
            pltpu.VMEM((1, PW), jnp.int32),
            pltpu.VMEM((PW, R), jnp.float32),
            pltpu.SemaphoreType.DMA,
        ],
    )
    def scat(src_hbm, idx_hbm, dst_hbm, idx_v, buf, sem):
        wid = lax.axis_index("s") * 2 + lax.axis_index("c")
        pltpu.sync_copy(idx_hbm.at[wid], idx_v)
        pltpu.sync_copy(src_hbm.at[pl.ds(wid * PW, PW)], buf)
        pltpu.async_copy(buf, dst_hbm.at[idx_v.at[0]], sem).wait()

    return scat


@functools.cache
def _gather_y_kernel():
    mesh = plsc.VectorSubcoreMesh(core_axis_name="c", subcore_axis_name="s")
    NB = 3

    @functools.partial(
        pl.kernel, mesh=mesh,
        out_type=jax.ShapeDtypeStruct((N, D), jnp.float32),
        scratch_types=[
            pltpu.VMEM((NGB, GB), jnp.int32),
            pltpu.VMEM((NB, GB, D), jnp.float32),
            pltpu.SemaphoreType.DMA,
            pltpu.SemaphoreType.DMA,
            pltpu.SemaphoreType.DMA,
        ],
    )
    def gath(src_hbm, idx_hbm, dst_hbm, idx_v, buf, sem0, sem1, sem2):
        sems = [sem0, sem1, sem2]
        wid = lax.axis_index("s") * 2 + lax.axis_index("c")
        base = wid * PW
        pltpu.sync_copy(idx_hbm.at[wid], idx_v)
        cps = []
        for j in range(NGB):
            b = j % NB
            if j >= NB:
                cps[j - NB].wait()
                pltpu.sync_copy(buf.at[(j - NB) % NB],
                                dst_hbm.at[pl.ds(base + (j - NB) * GB, GB)])
            cps.append(pltpu.async_copy(src_hbm.at[idx_v.at[j]], buf.at[b],
                                        sems[b]))
        for j in range(max(0, NGB - NB), NGB):
            cps[j].wait()
            pltpu.sync_copy(buf.at[j % NB],
                            dst_hbm.at[pl.ds(base + j * GB, GB)])

    return gath


def _group_body(offs_sref, hs_ref, v_ref, b_ref, o_ref):
    i = pl.program_id(0)
    t0 = i * GT
    ht = hs_ref[...]
    gi = t0 + lax.broadcasted_iota(jnp.int32, (GT, 1), 0)
    e0 = jnp.int32(0)
    e1 = jnp.int32(0)
    for e in range(1, E):
        e0 = jnp.where(offs_sref[e] <= t0, e, e0)
        e1 = jnp.where(offs_sref[e] <= t0 + GT - 1, e, e1)
    s0 = offs_sref[e0]
    en0 = offs_sref[E + e0]
    m0 = ((gi >= s0) & (gi < en0)).astype(jnp.float32)
    e0p = jnp.minimum(e0 + 1, E - 1)
    s1 = offs_sref[e0p]
    en1 = offs_sref[E + e0p]
    m1 = ((gi >= s1) & (gi < en1) & (e0p > e0)).astype(jnp.float32)
    y = jnp.broadcast_to(b_ref[...], (GT, D))
    y = y + lax.dot_general(ht * m0, v_ref[e0], (((1,), (0,)), ((), ())),
                            preferred_element_type=jnp.float32)
    y = y + lax.dot_general(ht * m1, v_ref[e0p], (((1,), (0,)), ((), ())),
                            preferred_element_type=jnp.float32)
    o_ref[...] = y
    for k in range(2, E):
        @pl.when(e0 + k <= e1)
        def _extra():
            ek = jnp.minimum(e0 + k, E - 1)
            sk = offs_sref[ek]
            enk = offs_sref[E + ek]
            mk = ((gi >= sk) & (gi < enk)).astype(jnp.float32)
            o_ref[...] += lax.dot_general(
                ht * mk, v_ref[ek], (((1,), (0,)), ((), ())),
                preferred_element_type=jnp.float32)


def _group_mm(offs, hs, V, bias):
    return pl.pallas_call(
        _group_body,
        grid_spec=pltpu.PrefetchScalarGridSpec(
            num_scalar_prefetch=1,
            grid=(N // GT,),
            in_specs=[
                pl.BlockSpec((GT, R), lambda i, offs: (i, 0)),
                pl.BlockSpec((E, R, D), lambda i, offs: (0, 0, 0)),
                pl.BlockSpec((1, D), lambda i, offs: (0, 0)),
            ],
            out_specs=pl.BlockSpec((GT, D), lambda i, offs: (i, 0)),
        ),
        out_shape=jax.ShapeDtypeStruct((N, D), jnp.float32),
    )(offs, hs, V, bias.reshape(1, D))


@jax.jit
def kernel(x, centroids, U, V, bias):
    orig_shape = x.shape
    xf = x.reshape(N, D)
    U_all = U.transpose(1, 0, 2).reshape(D, E * R)
    hsel, dest_mat, offs_pad = _route(xf, centroids, U_all)
    dest_flat = dest_mat[:, :NCH].T.reshape(N)
    offs = offs_pad[0, :2 * E]
    hs = _scatter_h_kernel()(hsel, dest_flat.reshape(NW, 1, PW))
    ys = _group_mm(offs, hs, V, bias)
    out = _gather_y_kernel()(ys, dest_flat.reshape(NW, NGB, GB))
    return out.reshape(orig_shape)

# --- scband reference (transcript-rebuilt; emitter-appended) ---
"""Pipeline reference for scband-hvrtlinear-ffn-75883482186212 (READ-ONLY COPY).

The authoritative reference and input builder live on the scoring server;
editing this copy changes nothing except your own understanding.
"""

import jax, jax.numpy as jnp
import numpy as np

E = 8      # number of HVRT partitions
D = 1024   # d_model (d_in == d_out, FFN replacement)
R = 128    # low-rank factor dim
B = 2
S = 2048


def setup_inputs(seed: int = 0) -> dict:
    key = jax.random.key(seed)
    k1, k2, k3, k4, k5 = jax.random.split(key, 5)
    x = jax.random.normal(k1, (B, S, D), dtype=jnp.float32)
    # partition assignment structure (centroid lookup per docstring)
    centroids = jax.random.normal(k2, (E, D), dtype=jnp.float32)
    # per-partition low-rank linear models (U, V)
    U = jax.random.normal(k3, (E, D, R), dtype=jnp.float32) * (1.0 / np.sqrt(D))
    V = jax.random.normal(k4, (E, R, D), dtype=jnp.float32) * (1.0 / np.sqrt(R))
    # global bias = mean of all FFN outputs
    bias = jax.random.normal(k5, (D,), dtype=jnp.float32) * 0.02
    return {"x": x, "centroids": centroids, "U": U, "V": V, "bias": bias}


def reference(x, centroids, U, V, bias):
    orig_shape = x.shape
    xf = x.reshape(-1, x.shape[-1])  # (N, D)
    # 1. assign each hidden state to its HVRT partition (nearest-centroid lookup)
    d2 = (jnp.sum(xf * xf, axis=1, keepdims=True)
          - 2.0 * (xf @ centroids.T)
          + jnp.sum(centroids * centroids, axis=1)[None, :])
    pids = jnp.argmin(d2, axis=1)  # (N,) int partition ids
    # 2. apply the within-partition low-rank linear model
    n_parts = U.shape[0]
    out = jnp.zeros((xf.shape[0], bias.shape[0]), dtype=jnp.float32)
    for pid in range(n_parts):
        mask = (pids == pid).astype(xf.dtype)[:, None]  # exclusive masks
        xe = xf * mask
        sub_out = (xe @ U[pid]) @ V[pid]
        out = out + sub_out
    out = out + bias
    return out.reshape(orig_shape)

if __name__ == "__main__":
    import jax
    _d = setup_inputs()
    print(jax.jit(kernel)(*tuple(_d.values())))

</pallas_src>

<mosaic_0001>
#map = affine_map<(d0, d1) -> (0, 0)>
#map1 = affine_map<(d0, d1) -> (0, 0, 0)>
module attributes {stable_mosaic.version = 14 : i64} {
  func.func @scat(%arg0: i32, %arg1: i32, %arg2: memref<4096x128xf32, #tpu.memory_space<hbm>>, %arg3: memref<32x1x128xi32, #tpu.memory_space<hbm>>, %arg4: memref<4096x128xf32, #tpu.memory_space<hbm>>, %arg5: memref<1x128xi32, #tpu.memory_space<vmem>>, %arg6: memref<128x128xf32, #tpu.memory_space<vmem>>, %arg7: memref<!tpu.dma_semaphore, #tpu.memory_space<semaphore_mem>>) attributes {dimension_semantics = [#tpu.dimension_semantics<core_parallel>, #tpu.dimension_semantics<subcore_parallel>], iteration_bounds = array<i64: 2, 16>, scalar_prefetch = 0 : i64, scratch_operands = 3 : i64, tpu.core_type = #tpu.core_type<sc_vector_subcore>, window_params = [{transform_indices = #map}, {transform_indices = #map1}, {transform_indices = #map}]} {
    %mul3A = arith.constant 2 : i32
    %mul3A_0 = arith.muli %arg1, %mul3A : i32
    %add3A = arith.addi %mul3A_0, %arg0 : i32
    "tpu.region"() ({
      %run_scoped3A = tpu.sem_alloc : memref<!tpu.dma_semaphore, #tpu.memory_space<semaphore_mem>>
      %dma_start3A_15 = arith.constant 0 : i32
      %dma_start3A_16 = arith.constant 0 : i32
      %dma_start3A_17 = tpu.memref_slice %arg3[%add3A, %dma_start3A_15, %dma_start3A_16] : memref<32x1x128xi32, #tpu.memory_space<hbm>> -> memref<1x1x128xi32, #tpu.memory_space<hbm>>
      %dma_start3A_18 = tpu.memref_squeeze %dma_start3A_17 : memref<1x1x128xi32, #tpu.memory_space<hbm>> -> memref<1x128xi32, #tpu.memory_space<hbm>>
      %dma_start3A_19 = arith.constant 0 : i32
      %dma_start3A_20 = arith.constant 0 : i32
      %dma_start3A_21 = tpu.memref_slice %arg3[%add3A, %dma_start3A_19, %dma_start3A_20] : memref<32x1x128xi32, #tpu.memory_space<hbm>> -> memref<1x1x128xi32, #tpu.memory_space<hbm>>
      %dma_start3A_22 = tpu.memref_squeeze %dma_start3A_21 : memref<1x1x128xi32, #tpu.memory_space<hbm>> -> memref<1x128xi32, #tpu.memory_space<hbm>>
      tpu.enqueue_dma source(%dma_start3A_22 : memref<1x128xi32, #tpu.memory_space<hbm>>) target(%arg5 : memref<1x128xi32, #tpu.memory_space<vmem>>) target_semaphore(%run_scoped3A : memref<!tpu.dma_semaphore, #tpu.memory_space<semaphore_mem>>)
      %dma_wait3A_23 = arith.constant 0 : i32
      %dma_wait3A_24 = arith.constant 0 : i32
      %dma_wait3A_25 = tpu.memref_slice %arg3[%add3A, %dma_wait3A_23, %dma_wait3A_24] : memref<32x1x128xi32, #tpu.memory_space<hbm>> -> memref<1x1x128xi32, #tpu.memory_space<hbm>>
      %dma_wait3A_26 = tpu.memref_squeeze %dma_wait3A_25 : memref<1x1x128xi32, #tpu.memory_space<hbm>> -> memref<1x128xi32, #tpu.memory_space<hbm>>
      %dma_wait3A_27 = arith.constant 0 : i32
      %dma_wait3A_28 = arith.constant 0 : i32
      %dma_wait3A_29 = tpu.memref_slice %arg3[%add3A, %dma_wait3A_27, %dma_wait3A_28] : memref<32x1x128xi32, #tpu.memory_space<hbm>> -> memref<1x1x128xi32, #tpu.memory_space<hbm>>
      %dma_wait3A_30 = tpu.memref_squeeze %dma_wait3A_29 : memref<1x1x128xi32, #tpu.memory_space<hbm>> -> memref<1x128xi32, #tpu.memory_space<hbm>>
      tpu.wait_dma2 semaphore(%run_scoped3A : memref<!tpu.dma_semaphore, #tpu.memory_space<semaphore_mem>>) src(%dma_wait3A_30 : memref<1x128xi32, #tpu.memory_space<hbm>>) dst(%arg5 : memref<1x128xi32, #tpu.memory_space<vmem>>)
      tpu.yield
    }) : () -> ()
    %mul3A_1 = arith.constant 128 : i32
    %mul3A_2 = arith.muli %add3A, %mul3A_1 : i32
    "tpu.region"() ({
      %run_scoped3A = tpu.sem_alloc : memref<!tpu.dma_semaphore, #tpu.memory_space<semaphore_mem>>
      %dma_start3A_15 = arith.constant 0 : i32
      %dma_start3A_16 = tpu.memref_slice %arg2[%mul3A_2, %dma_start3A_15] : memref<4096x128xf32, #tpu.memory_space<hbm>> -> memref<128x128xf32, #tpu.memory_space<hbm>>
      %dma_start3A_17 = arith.constant 0 : i32
      %dma_start3A_18 = tpu.memref_slice %arg2[%mul3A_2, %dma_start3A_17] : memref<4096x128xf32, #tpu.memory_space<hbm>> -> memref<128x128xf32, #tpu.memory_space<hbm>>
      tpu.enqueue_dma source(%dma_start3A_18 : memref<128x128xf32, #tpu.memory_space<hbm>>) target(%arg6 : memref<128x128xf32, #tpu.memory_space<vmem>>) target_semaphore(%run_scoped3A : memref<!tpu.dma_semaphore, #tpu.memory_space<semaphore_mem>>)
      %dma_wait3A_19 = arith.constant 0 : i32
      %dma_wait3A_20 = tpu.memref_slice %arg2[%mul3A_2, %dma_wait3A_19] : memref<4096x128xf32, #tpu.memory_space<hbm>> -> memref<128x128xf32, #tpu.memory_space<hbm>>
      %dma_wait3A_21 = arith.constant 0 : i32
      %dma_wait3A_22 = tpu.memref_slice %arg2[%mul3A_2, %dma_wait3A_21] : memref<4096x128xf32, #tpu.memory_space<hbm>> -> memref<128x128xf32, #tpu.memory_space<hbm>>
      tpu.wait_dma2 semaphore(%run_scoped3A : memref<!tpu.dma_semaphore, #tpu.memory_space<semaphore_mem>>) src(%dma_wait3A_22 : memref<128x128xf32, #tpu.memory_space<hbm>>) dst(%arg6 : memref<128x128xf32, #tpu.memory_space<vmem>>)
      tpu.yield
    }) : () -> ()
    %dma_start3A = arith.constant 0 : i32
    %dma_start3A_3 = arith.constant 0 : i32
    %dma_start3A_4 = tpu.memref_slice %arg5[%dma_start3A, %dma_start3A_3] : memref<1x128xi32, #tpu.memory_space<vmem>> -> memref<1x128xi32, #tpu.memory_space<vmem>>
    %dma_start3A_5 = tpu.memref_squeeze %dma_start3A_4 : memref<1x128xi32, #tpu.memory_space<vmem>> -> memref<128xi32, #tpu.memory_space<vmem>>
    %dma_start3A_6 = arith.constant 0 : i32
    %dma_start3A_7 = arith.constant 0 : i32
    %dma_start3A_8 = tpu.memref_slice %arg4[%dma_start3A_6, %dma_start3A_7] : memref<4096x128xf32, #tpu.memory_space<hbm>> -> memref<4096x128xf32, #tpu.memory_space<hbm>>
    tpu.enqueue_indirect_dma source(%arg6 : memref<128x128xf32, #tpu.memory_space<vmem>>) target(%dma_start3A_8 : memref<4096x128xf32, #tpu.memory_space<hbm>>) offsets(%dma_start3A_5 : memref<128xi32, #tpu.memory_space<vmem>>) semaphore(%arg7 : memref<!tpu.dma_semaphore, #tpu.memory_space<semaphore_mem>>)
    %dma_wait3A = arith.constant 0 : i32
    %dma_wait3A_9 = arith.constant 0 : i32
    %dma_wait3A_10 = tpu.memref_slice %arg5[%dma_wait3A, %dma_wait3A_9] : memref<1x128xi32, #tpu.memory_space<vmem>> -> memref<1x128xi32, #tpu.memory_space<vmem>>
    %dma_wait3A_11 = tpu.memref_squeeze %dma_wait3A_10 : memref<1x128xi32, #tpu.memory_space<vmem>> -> memref<128xi32, #tpu.memory_space<vmem>>
    %dma_wait3A_12 = arith.constant 0 : i32
    %dma_wait3A_13 = arith.constant 0 : i32
    %dma_wait3A_14 = tpu.memref_slice %arg4[%dma_wait3A_12, %dma_wait3A_13] : memref<4096x128xf32, #tpu.memory_space<hbm>> -> memref<4096x128xf32, #tpu.memory_space<hbm>>
    tpu.wait_indirect_dma semaphore(%arg7 : memref<!tpu.dma_semaphore, #tpu.memory_space<semaphore_mem>>) src(%arg6 : memref<128x128xf32, #tpu.memory_space<vmem>>) dst(%dma_wait3A_14 : memref<4096x128xf32, #tpu.memory_space<hbm>>)
    return
  }
}

#map = affine_map<(d0, d1) -> (0, 0)>
#map1 = affine_map<(d0, d1) -> (0, 0, 0)>
module attributes {stable_mosaic.version = 14 : i64} {
  func.func @gath(%arg0: i32, %arg1: i32, %arg2: memref<4096x1024xf32, #tpu.memory_space<hbm>>, %arg3: memref<32x4x32xi32, #tpu.memory_space<hbm>>, %arg4: memref<4096x1024xf32, #tpu.memory_space<hbm>>, %arg5: memref<4x32xi32, #tpu.memory_space<vmem>>, %arg6: memref<3x32x1024xf32, #tpu.memory_space<vmem>>, %arg7: memref<!tpu.dma_semaphore, #tpu.memory_space<semaphore_mem>>, %arg8: memref<!tpu.dma_semaphore, #tpu.memory_space<semaphore_mem>>, %arg9: memref<!tpu.dma_semaphore, #tpu.memory_space<semaphore_mem>>) attributes {dimension_semantics = [#tpu.dimension_semantics<core_parallel>, #tpu.dimension_semantics<subcore_parallel>], iteration_bounds = array<i64: 2, 16>, scalar_prefetch = 0 : i64, scratch_operands = 5 : i64, tpu.core_type = #tpu.core_type<sc_vector_subcore>, window_params = [{transform_indices = #map}, {transform_indices = #map1}, {transform_indices = #map}]} {
    %mul3A = arith.constant 2 : i32
    %mul3A_0 = arith.muli %arg1, %mul3A : i32
    %add3A = arith.addi %mul3A_0, %arg0 : i32
    %mul3A_1 = arith.constant 128 : i32
    %mul3A_2 = arith.muli %add3A, %mul3A_1 : i32
    "tpu.region"() ({
      %run_scoped3A_108 = tpu.sem_alloc : memref<!tpu.dma_semaphore, #tpu.memory_space<semaphore_mem>>
      %dma_start3A_109 = arith.constant 0 : i32
      %dma_start3A_110 = arith.constant 0 : i32
      %dma_start3A_111 = tpu.memref_slice %arg3[%add3A, %dma_start3A_109, %dma_start3A_110] : memref<32x4x32xi32, #tpu.memory_space<hbm>> -> memref<1x4x32xi32, #tpu.memory_space<hbm>>
      %dma_start3A_112 = tpu.memref_squeeze %dma_start3A_111 : memref<1x4x32xi32, #tpu.memory_space<hbm>> -> memref<4x32xi32, #tpu.memory_space<hbm>>
      %dma_start3A_113 = arith.constant 0 : i32
      %dma_start3A_114 = arith.constant 0 : i32
      %dma_start3A_115 = tpu.memref_slice %arg3[%add3A, %dma_start3A_113, %dma_start3A_114] : memref<32x4x32xi32, #tpu.memory_space<hbm>> -> memref<1x4x32xi32, #tpu.memory_space<hbm>>
      %dma_start3A_116 = tpu.memref_squeeze %dma_start3A_115 : memref<1x4x32xi32, #tpu.memory_space<hbm>> -> memref<4x32xi32, #tpu.memory_space<hbm>>
      tpu.enqueue_dma source(%dma_start3A_116 : memref<4x32xi32, #tpu.memory_space<hbm>>) target(%arg5 : memref<4x32xi32, #tpu.memory_space<vmem>>) target_semaphore(%run_scoped3A_108 : memref<!tpu.dma_semaphore, #tpu.memory_space<semaphore_mem>>)
      %dma_wait3A_117 = arith.constant 0 : i32
      %dma_wait3A_118 = arith.constant 0 : i32
      %dma_wait3A_119 = tpu.memref_slice %arg3[%add3A, %dma_wait3A_117, %dma_wait3A_118] : memref<32x4x32xi32, #tpu.memory_space<hbm>> -> memref<1x4x32xi32, #tpu.memory_space<hbm>>
      %dma_wait3A_120 = tpu.memref_squeeze %dma_wait3A_119 : memref<1x4x32xi32, #tpu.memory_space<hbm>> -> memref<4x32xi32, #tpu.memory_space<hbm>>
      %dma_wait3A_121 = arith.constant 0 : i32
      %dma_wait3A_122 = arith.constant 0 : i32
      %dma_wait3A_123 = tpu.memref_slice %arg3[%add3A, %dma_wait3A_121, %dma_wait3A_122] : memref<32x4x32xi32, #tpu.memory_space<hbm>> -> memref<1x4x32xi32, #tpu.memory_space<hbm>>
      %dma_wait3A_124 = tpu.memref_squeeze %dma_wait3A_123 : memref<1x4x32xi32, #tpu.memory_space<hbm>> -> memref<4x32xi32, #tpu.memory_space<hbm>>
      tpu.wait_dma2 semaphore(%run_scoped3A_108 : memref<!tpu.dma_semaphore, #tpu.memory_space<semaphore_mem>>) src(%dma_wait3A_124 : memref<4x32xi32, #tpu.memory_space<hbm>>) dst(%arg5 : memref<4x32xi32, #tpu.memory_space<vmem>>)
      tpu.yield
    }) : () -> ()
    %dma_start3A = arith.constant 0 : i32
    %dma_start3A_3 = arith.constant 0 : i32
    %dma_start3A_4 = arith.constant 0 : i32
    %dma_start3A_5 = arith.constant 0 : i32
    %dma_start3A_6 = tpu.memref_slice %arg6[%dma_start3A_3, %dma_start3A_4, %dma_start3A_5] : memref<3x32x1024xf32, #tpu.memory_space<vmem>> -> memref<1x32x1024xf32, #tpu.memory_space<vmem>>
    %dma_start3A_7 = tpu.memref_squeeze %dma_start3A_6 : memref<1x32x1024xf32, #tpu.memory_space<vmem>> -> memref<32x1024xf32, #tpu.memory_space<vmem>>
    %dma_start3A_8 = arith.constant 0 : i32
    %dma_start3A_9 = tpu.memref_slice %arg5[%dma_start3A, %dma_start3A_8] : memref<4x32xi32, #tpu.memory_space<vmem>> -> memref<1x32xi32, #tpu.memory_space<vmem>>
    %dma_start3A_10 = tpu.memref_squeeze %dma_start3A_9 : memref<1x32xi32, #tpu.memory_space<vmem>> -> memref<32xi32, #tpu.memory_space<vmem>>
    %dma_start3A_11 = arith.constant 0 : i32
    %dma_start3A_12 = arith.constant 0 : i32
    %dma_start3A_13 = tpu.memref_slice %arg2[%dma_start3A_11, %dma_start3A_12] : memref<4096x1024xf32, #tpu.memory_space<hbm>> -> memref<4096x1024xf32, #tpu.memory_space<hbm>>
    tpu.enqueue_indirect_dma source(%dma_start3A_13 : memref<4096x1024xf32, #tpu.memory_space<hbm>>) target(%dma_start3A_7 : memref<32x1024xf32, #tpu.memory_space<vmem>>) offsets(%dma_start3A_10 : memref<32xi32, #tpu.memory_space<vmem>>) semaphore(%arg7 : memref<!tpu.dma_semaphore, #tpu.memory_space<semaphore_mem>>)
    %dma_start3A_14 = arith.constant 1 : i32
    %dma_start3A_15 = arith.constant 1 : i32
    %dma_start3A_16 = arith.constant 0 : i32
    %dma_start3A_17 = arith.constant 0 : i32
    %dma_start3A_18 = tpu.memref_slice %arg6[%dma_start3A_15, %dma_start3A_16, %dma_start3A_17] : memref<3x32x1024xf32, #tpu.memory_space<vmem>> -> memref<1x32x1024xf32, #tpu.memory_space<vmem>>
    %dma_start3A_19 = tpu.memref_squeeze %dma_start3A_18 : memref<1x32x1024xf32, #tpu.memory_space<vmem>> -> memref<32x1024xf32, #tpu.memory_space<vmem>>
    %dma_start3A_20 = arith.constant 0 : i32
    %dma_start3A_21 = tpu.memref_slice %arg5[%dma_start3A_14, %dma_start3A_20] : memref<4x32xi32, #tpu.memory_space<vmem>> -> memref<1x32xi32, #tpu.memory_space<vmem>>
    %dma_start3A_22 = tpu.memref_squeeze %dma_start3A_21 : memref<1x32xi32, #tpu.memory_space<vmem>> -> memref<32xi32, #tpu.memory_space<vmem>>
    %dma_start3A_23 = arith.constant 0 : i32
    %dma_start3A_24 = arith.constant 0 : i32
    %dma_start3A_25 = tpu.memref_slice %arg2[%dma_start3A_23, %dma_start3A_24] : memref<4096x1024xf32, #tpu.memory_space<hbm>> -> memref<4096x1024xf32, #tpu.memory_space<hbm>>
    tpu.enqueue_indirect_dma source(%dma_start3A_25 : memref<4096x1024xf32, #tpu.memory_space<hbm>>) target(%dma_start3A_19 : memref<32x1024xf32, #tpu.memory_space<vmem>>) offsets(%dma_start3A_22 : memref<32xi32, #tpu.memory_space<vmem>>) semaphore(%arg8 : memref<!tpu.dma_semaphore, #tpu.memory_space<semaphore_mem>>)
    %dma_start3A_26 = arith.constant 2 : i32
    %dma_start3A_27 = arith.constant 2 : i32
    %dma_start3A_28 = arith.constant 0 : i32
    %dma_start3A_29 = arith.constant 0 : i32
    %dma_start3A_30 = tpu.memref_slice %arg6[%dma_start3A_27, %dma_start3A_28, %dma_start3A_29] : memref<3x32x1024xf32, #tpu.memory_space<vmem>> -> memref<1x32x1024xf32, #tpu.memory_space<vmem>>
    %dma_start3A_31 = tpu.memref_squeeze %dma_start3A_30 : memref<1x32x1024xf32, #tpu.memory_space<vmem>> -> memref<32x1024xf32, #tpu.memory_space<vmem>>
    %dma_start3A_32 = arith.constant 0 : i32
    %dma_start3A_33 = tpu.memref_slice %arg5[%dma_start3A_26, %dma_start3A_32] : memref<4x32xi32, #tpu.memory_space<vmem>> -> memref<1x32xi32, #tpu.memory_space<vmem>>
    %dma_start3A_34 = tpu.memref_squeeze %dma_start3A_33 : memref<1x32xi32, #tpu.memory_space<vmem>> -> memref<32xi32, #tpu.memory_space<vmem>>
    %dma_start3A_35 = arith.constant 0 : i32
    %dma_start3A_36 = arith.constant 0 : i32
    %dma_start3A_37 = tpu.memref_slice %arg2[%dma_start3A_35, %dma_start3A_36] : memref<4096x1024xf32, #tpu.memory_space<hbm>> -> memref<4096x1024xf32, #tpu.memory_space<hbm>>
    tpu.enqueue_indirect_dma source(%dma_start3A_37 : memref<4096x1024xf32, #tpu.memory_space<hbm>>) target(%dma_start3A_31 : memref<32x1024xf32, #tpu.memory_space<vmem>>) offsets(%dma_start3A_34 : memref<32xi32, #tpu.memory_space<vmem>>) semaphore(%arg9 : memref<!tpu.dma_semaphore, #tpu.memory_space<semaphore_mem>>)
    %dma_wait3A = arith.constant 0 : i32
    %dma_wait3A_38 = arith.constant 0 : i32
    %dma_wait3A_39 = arith.constant 0 : i32
    %dma_wait3A_40 = arith.constant 0 : i32
    %dma_wait3A_41 = tpu.memref_slice %arg6[%dma_wait3A_38, %dma_wait3A_39, %dma_wait3A_40] : memref<3x32x1024xf32, #tpu.memory_space<vmem>> -> memref<1x32x1024xf32, #tpu.memory_space<vmem>>
    %dma_wait3A_42 = tpu.memref_squeeze %dma_wait3A_41 : memref<1x32x1024xf32, #tpu.memory_space<vmem>> -> memref<32x1024xf32, #tpu.memory_space<vmem>>
    %dma_wait3A_43 = arith.constant 0 : i32
    %dma_wait3A_44 = tpu.memref_slice %arg5[%dma_wait3A, %dma_wait3A_43] : memref<4x32xi32, #tpu.memory_space<vmem>> -> memref<1x32xi32, #tpu.memory_space<vmem>>
    %dma_wait3A_45 = tpu.memref_squeeze %dma_wait3A_44 : memref<1x32xi32, #tpu.memory_space<vmem>> -> memref<32xi32, #tpu.memory_space<vmem>>
    %dma_wait3A_46 = arith.constant 0 : i32
    %dma_wait3A_47 = arith.constant 0 : i32
    %dma_wait3A_48 = tpu.memref_slice %arg2[%dma_wait3A_46, %dma_wait3A_47] : memref<4096x1024xf32, #tpu.memory_space<hbm>> -> memref<4096x1024xf32, #tpu.memory_space<hbm>>
    tpu.wait_indirect_dma semaphore(%arg7 : memref<!tpu.dma_semaphore, #tpu.memory_space<semaphore_mem>>) src(%dma_wait3A_48 : memref<4096x1024xf32, #tpu.memory_space<hbm>>) dst(%dma_wait3A_42 : memref<32x1024xf32, #tpu.memory_space<vmem>>)
    %add3A_49 = arith.constant 0 : i32
    %add3A_50 = arith.addi %mul3A_2, %add3A_49 : i32
    %run_scoped3A = arith.constant 0 : i32
    "tpu.region"() ({
      %run_scoped3A_108 = tpu.sem_alloc : memref<!tpu.dma_semaphore, #tpu.memory_space<semaphore_mem>>
      %dma_start3A_109 = arith.constant 0 : i32
      %dma_start3A_110 = arith.constant 0 : i32
      %dma_start3A_111 = tpu.memref_slice %arg6[%run_scoped3A, %dma_start3A_109, %dma_start3A_110] : memref<3x32x1024xf32, #tpu.memory_space<vmem>> -> memref<1x32x1024xf32, #tpu.memory_space<vmem>>
      %dma_start3A_112 = tpu.memref_squeeze %dma_start3A_111 : memref<1x32x1024xf32, #tpu.memory_space<vmem>> -> memref<32x1024xf32, #tpu.memory_space<vmem>>
      %dma_start3A_113 = arith.constant 0 : i32
      %dma_start3A_114 = tpu.memref_slice %arg4[%add3A_50, %dma_start3A_113] : memref<4096x1024xf32, #tpu.memory_space<hbm>> -> memref<32x1024xf32, #tpu.memory_space<hbm>>
      %dma_start3A_115 = arith.constant 0 : i32
      %dma_start3A_116 = tpu.memref_slice %arg4[%add3A_50, %dma_start3A_115] : memref<4096x1024xf32, #tpu.memory_space<hbm>> -> memref<32x1024xf32, #tpu.memory_space<hbm>>
      %dma_start3A_117 = arith.constant 0 : i32
      %dma_start3A_118 = arith.constant 0 : i32
      %dma_start3A_119 = tpu.memref_slice %arg6[%run_scoped3A, %dma_start3A_117, %dma_start3A_118] : memref<3x32x1024xf32, #tpu.memory_space<vmem>> -> memref<1x32x1024xf32, #tpu.memory_space<vmem>>
      %dma_start3A_120 = tpu.memref_squeeze %dma_start3A_119 : memref<1x32x1024xf32, #tpu.memory_space<vmem>> -> memref<32x1024xf32, #tpu.memory_space<vmem>>
      tpu.enqueue_dma source(%dma_start3A_120 : memref<32x1024xf32, #tpu.memory_space<vmem>>) target(%dma_start3A_116 : memref<32x1024xf32, #tpu.memory_space<hbm>>) target_semaphore(%run_scoped3A_108 : memref<!tpu.dma_semaphore, #tpu.memory_space<semaphore_mem>>)
      %dma_wait3A_121 = arith.constant 0 : i32
      %dma_wait3A_122 = arith.constant 0 : i32
      %dma_wait3A_123 = tpu.memref_slice %arg6[%run_scoped3A, %dma_wait3A_121, %dma_wait3A_122] : memref<3x32x1024xf32, #tpu.memory_space<vmem>> -> memref<1x32x1024xf32, #tpu.memory_space<vmem>>
      %dma_wait3A_124 = tpu.memref_squeeze %dma_wait3A_123 : memref<1x32x1024xf32, #tpu.memory_space<vmem>> -> memref<32x1024xf32, #tpu.memory_space<vmem>>
      %dma_wait3A_125 = arith.constant 0 : i32
      %dma_wait3A_126 = tpu.memref_slice %arg4[%add3A_50, %dma_wait3A_125] : memref<4096x1024xf32, #tpu.memory_space<hbm>> -> memref<32x1024xf32, #tpu.memory_space<hbm>>
      %dma_wait3A_127 = arith.constant 0 : i32
      %dma_wait3A_128 = tpu.memref_slice %arg4[%add3A_50, %dma_wait3A_127] : memref<4096x1024xf32, #tpu.memory_space<hbm>> -> memref<32x1024xf32, #tpu.memory_space<hbm>>
      %dma_wait3A_129 = arith.constant 0 : i32
      %dma_wait3A_130 = arith.constant 0 : i32
      %dma_wait3A_131 = tpu.memref_slice %arg6[%run_scoped3A, %dma_wait3A_129, %dma_wait3A_130] : memref<3x32x1024xf32, #tpu.memory_space<vmem>> -> memref<1x32x1024xf32, #tpu.memory_space<vmem>>
      %dma_wait3A_132 = tpu.memref_squeeze %dma_wait3A_131 : memref<1x32x1024xf32, #tpu.memory_space<vmem>> -> memref<32x1024xf32, #tpu.memory_space<vmem>>
      tpu.wait_dma2 semaphore(%run_scoped3A_108 : memref<!tpu.dma_semaphore, #tpu.memory_space<semaphore_mem>>) src(%dma_wait3A_132 : memref<32x1024xf32, #tpu.memory_space<vmem>>) dst(%dma_wait3A_128 : memref<32x1024xf32, #tpu.memory_space<hbm>>)
      tpu.yield
    }) : () -> ()
    %dma_start3A_51 = arith.constant 3 : i32
    %dma_start3A_52 = arith.constant 0 : i32
    %dma_start3A_53 = arith.constant 0 : i32
    %dma_start3A_54 = arith.constant 0 : i32
    %dma_start3A_55 = tpu.memref_slice %arg6[%dma_start3A_52, %dma_start3A_53, %dma_start3A_54] : memref<3x32x1024xf32, #tpu.memory_space<vmem>> -> memref<1x32x1024xf32, #tpu.memory_space<vmem>>
    %dma_start3A_56 = tpu.memref_squeeze %dma_start3A_55 : memref<1x32x1024xf32, #tpu.memory_space<vmem>> -> memref<32x1024xf32, #tpu.memory_space<vmem>>
    %dma_start3A_57 = arith.constant 0 : i32
    %dma_start3A_58 = tpu.memref_slice %arg5[%dma_start3A_51, %dma_start3A_57] : memref<4x32xi32, #tpu.memory_space<vmem>> -> memref<1x32xi32, #tpu.memory_space<vmem>>
    %dma_start3A_59 = tpu.memref_squeeze %dma_start3A_58 : memref<1x32xi32, #tpu.memory_space<vmem>> -> memref<32xi32, #tpu.memory_space<vmem>>
    %dma_start3A_60 = arith.constant 0 : i32
    %dma_start3A_61 = arith.constant 0 : i32
    %dma_start3A_62 = tpu.memref_slice %arg2[%dma_start3A_60, %dma_start3A_61] : memref<4096x1024xf32, #tpu.memory_space<hbm>> -> memref<4096x1024xf32, #tpu.memory_space<hbm>>
    tpu.enqueue_indirect_dma source(%dma_start3A_62 : memref<4096x1024xf32, #tpu.memory_space<hbm>>) target(%dma_start3A_56 : memref<32x1024xf32, #tpu.memory_space<vmem>>) offsets(%dma_start3A_59 : memref<32xi32, #tpu.memory_space<vmem>>) semaphore(%arg7 : memref<!tpu.dma_semaphore, #tpu.memory_space<semaphore_mem>>)
    %dma_wait3A_63 = arith.constant 1 : i32
    %dma_wait3A_64 = arith.constant 1 : i32
    %dma_wait3A_65 = arith.constant 0 : i32
    %dma_wait3A_66 = arith.constant 0 : i32
    %dma_wait3A_67 = tpu.memref_slice %arg6[%dma_wait3A_64, %dma_wait3A_65, %dma_wait3A_66] : memref<3x32x1024xf32, #tpu.memory_space<vmem>> -> memref<1x32x1024xf32, #tpu.memory_space<vmem>>
    %dma_wait3A_68 = tpu.memref_squeeze %dma_wait3A_67 : memref<1x32x1024xf32, #tpu.memory_space<vmem>> -> memref<32x1024xf32, #tpu.memory_space<vmem>>
    %dma_wait3A_69 = arith.constant 0 : i32
    %dma_wait3A_70 = tpu.memref_slice %arg5[%dma_wait3A_63, %dma_wait3A_69] : memref<4x32xi32, #tpu.memory_space<vmem>> -> memref<1x32xi32, #tpu.memory_space<vmem>>
    %dma_wait3A_71 = tpu.memref_squeeze %dma_wait3A_70 : memref<1x32xi32, #tpu.memory_space<vmem>> -> memref<32xi32, #tpu.memory_space<vmem>>
    %dma_wait3A_72 = arith.constant 0 : i32
    %dma_wait3A_73 = arith.constant 0 : i32
    %dma_wait3A_74 = tpu.memref_slice %arg2[%dma_wait3A_72, %dma_wait3A_73] : memref<4096x1024xf32, #tpu.memory_space<hbm>> -> memref<4096x1024xf32, #tpu.memory_space<hbm>>
    tpu.wait_indirect_dma semaphore(%arg8 : memref<!tpu.dma_semaphore, #tpu.memory_space<semaphore_mem>>) src(%dma_wait3A_74 : memref<4096x1024xf32, #tpu.memory_space<hbm>>) dst(%dma_wait3A_68 : memref<32x1024xf32, #tpu.memory_space<vmem>>)
    %add3A_75 = arith.constant 32 : i32
    %add3A_76 = arith.addi %mul3A_2, %add3A_75 : i32
    %run_scoped3A_77 = arith.constant 1 : i32
    "tpu.region"() ({
      %run_scoped3A_108 = tpu.sem_alloc : memref<!tpu.dma_semaphore, #tpu.memory_space<semaphore_mem>>
      %dma_start3A_109 = arith.constant 0 : i32
      %dma_start3A_110 = arith.constant 0 : i32
      %dma_start3A_111 = tpu.memref_slice %arg6[%run_scoped3A_77, %dma_start3A_109, %dma_start3A_110] : memref<3x32x1024xf32, #tpu.memory_space<vmem>> -> memref<1x32x1024xf32, #tpu.memory_space<vmem>>
      %dma_start3A_112 = tpu.memref_squeeze %dma_start3A_111 : memref<1x32x1024xf32, #tpu.memory_space<vmem>> -> memref<32x1024xf32, #tpu.memory_space<vmem>>
      %dma_start3A_113 = arith.constant 0 : i32
      %dma_start3A_114 = tpu.memref_slice %arg4[%add3A_76, %dma_start3A_113] : memref<4096x1024xf32, #tpu.memory_space<hbm>> -> memref<32x1024xf32, #tpu.memory_space<hbm>>
      %dma_start3A_115 = arith.constant 0 : i32
      %dma_start3A_116 = tpu.memref_slice %arg4[%add3A_76, %dma_start3A_115] : memref<4096x1024xf32, #tpu.memory_space<hbm>> -> memref<32x1024xf32, #tpu.memory_space<hbm>>
      %dma_start3A_117 = arith.constant 0 : i32
      %dma_start3A_118 = arith.constant 0 : i32
      %dma_start3A_119 = tpu.memref_slice %arg6[%run_scoped3A_77, %dma_start3A_117, %dma_start3A_118] : memref<3x32x1024xf32, #tpu.memory_space<vmem>> -> memref<1x32x1024xf32, #tpu.memory_space<vmem>>
      %dma_start3A_120 = tpu.memref_squeeze %dma_start3A_119 : memref<1x32x1024xf32, #tpu.memory_space<vmem>> -> memref<32x1024xf32, #tpu.memory_space<vmem>>
      tpu.enqueue_dma source(%dma_start3A_120 : memref<32x1024xf32, #tpu.memory_space<vmem>>) target(%dma_start3A_116 : memref<32x1024xf32, #tpu.memory_space<hbm>>) target_semaphore(%run_scoped3A_108 : memref<!tpu.dma_semaphore, #tpu.memory_space<semaphore_mem>>)
      %dma_wait3A_121 = arith.constant 0 : i32
      %dma_wait3A_122 = arith.constant 0 : i32
      %dma_wait3A_123 = tpu.memref_slice %arg6[%run_scoped3A_77, %dma_wait3A_121, %dma_wait3A_122] : memref<3x32x1024xf32, #tpu.memory_space<vmem>> -> memref<1x32x1024xf32, #tpu.memory_space<vmem>>
      %dma_wait3A_124 = tpu.memref_squeeze %dma_wait3A_123 : memref<1x32x1024xf32, #tpu.memory_space<vmem>> -> memref<32x1024xf32, #tpu.memory_space<vmem>>
      %dma_wait3A_125 = arith.constant 0 : i32
      %dma_wait3A_126 = tpu.memref_slice %arg4[%add3A_76, %dma_wait3A_125] : memref<4096x1024xf32, #tpu.memory_space<hbm>> -> memref<32x1024xf32, #tpu.memory_space<hbm>>
      %dma_wait3A_127 = arith.constant 0 : i32
      %dma_wait3A_128 = tpu.memref_slice %arg4[%add3A_76, %dma_wait3A_127] : memref<4096x1024xf32, #tpu.memory_space<hbm>> -> memref<32x1024xf32, #tpu.memory_space<hbm>>
      %dma_wait3A_129 = arith.constant 0 : i32
      %dma_wait3A_130 = arith.constant 0 : i32
      %dma_wait3A_131 = tpu.memref_slice %arg6[%run_scoped3A_77, %dma_wait3A_129, %dma_wait3A_130] : memref<3x32x1024xf32, #tpu.memory_space<vmem>> -> memref<1x32x1024xf32, #tpu.memory_space<vmem>>
      %dma_wait3A_132 = tpu.memref_squeeze %dma_wait3A_131 : memref<1x32x1024xf32, #tpu.memory_space<vmem>> -> memref<32x1024xf32, #tpu.memory_space<vmem>>
      tpu.wait_dma2 semaphore(%run_scoped3A_108 : memref<!tpu.dma_semaphore, #tpu.memory_space<semaphore_mem>>) src(%dma_wait3A_132 : memref<32x1024xf32, #tpu.memory_space<vmem>>) dst(%dma_wait3A_128 : memref<32x1024xf32, #tpu.memory_space<hbm>>)
      tpu.yield
    }) : () -> ()
    %dma_wait3A_78 = arith.constant 2 : i32
    %dma_wait3A_79 = arith.constant 2 : i32
    %dma_wait3A_80 = arith.constant 0 : i32
    %dma_wait3A_81 = arith.constant 0 : i32
    %dma_wait3A_82 = tpu.memref_slice %arg6[%dma_wait3A_79, %dma_wait3A_80, %dma_wait3A_81] : memref<3x32x1024xf32, #tpu.memory_space<vmem>> -> memref<1x32x1024xf32, #tpu.memory_space<vmem>>
    %dma_wait3A_83 = tpu.memref_squeeze %dma_wait3A_82 : memref<1x32x1024xf32, #tpu.memory_space<vmem>> -> memref<32x1024xf32, #tpu.memory_space<vmem>>
    %dma_wait3A_84 = arith.constant 0 : i32
    %dma_wait3A_85 = tpu.memref_slice %arg5[%dma_wait3A_78, %dma_wait3A_84] : memref<4x32xi32, #tpu.memory_space<vmem>> -> memref<1x32xi32, #tpu.memory_space<vmem>>
    %dma_wait3A_86 = tpu.memref_squeeze %dma_wait3A_85 : memref<1x32xi32, #tpu.memory_space<vmem>> -> memref<32xi32, #tpu.memory_space<vmem>>
    %dma_wait3A_87 = arith.constant 0 : i32
    %dma_wait3A_88 = arith.constant 0 : i32
    %dma_wait3A_89 = tpu.memref_slice %arg2[%dma_wait3A_87, %dma_wait3A_88] : memref<4096x1024xf32, #tpu.memory_space<hbm>> -> memref<4096x1024xf32, #tpu.memory_space<hbm>>
    tpu.wait_indirect_dma semaphore(%arg9 : memref<!tpu.dma_semaphore, #tpu.memory_space<semaphore_mem>>) src(%dma_wait3A_89 : memref<4096x1024xf32, #tpu.memory_space<hbm>>) dst(%dma_wait3A_83 : memref<32x1024xf32, #tpu.memory_space<vmem>>)
    %add3A_90 = arith.constant 64 : i32
    %add3A_91 = arith.addi %mul3A_2, %add3A_90 : i32
    %run_scoped3A_92 = arith.constant 2 : i32
    "tpu.region"() ({
      %run_scoped3A_108 = tpu.sem_alloc : memref<!tpu.dma_semaphore, #tpu.memory_space<semaphore_mem>>
      %dma_start3A_109 = arith.constant 0 : i32
      %dma_start3A_110 = arith.constant 0 : i32
      %dma_start3A_111 = tpu.memref_slice %arg6[%run_scoped3A_92, %dma_start3A_109, %dma_start3A_110] : memref<3x32x1024xf32, #tpu.memory_space<vmem>> -> memref<1x32x1024xf32, #tpu.memory_space<vmem>>
      %dma_start3A_112 = tpu.memref_squeeze %dma_start3A_111 : memref<1x32x1024xf32, #tpu.memory_space<vmem>> -> memref<32x1024xf32, #tpu.memory_space<vmem>>
      %dma_start3A_113 = arith.constant 0 : i32
      %dma_start3A_114 = tpu.memref_slice %arg4[%add3A_91, %dma_start3A_113] : memref<4096x1024xf32, #tpu.memory_space<hbm>> -> memref<32x1024xf32, #tpu.memory_space<hbm>>
      %dma_start3A_115 = arith.constant 0 : i32
      %dma_start3A_116 = tpu.memref_slice %arg4[%add3A_91, %dma_start3A_115] : memref<4096x1024xf32, #tpu.memory_space<hbm>> -> memref<32x1024xf32, #tpu.memory_space<hbm>>
      %dma_start3A_117 = arith.constant 0 : i32
      %dma_start3A_118 = arith.constant 0 : i32
      %dma_start3A_119 = tpu.memref_slice %arg6[%run_scoped3A_92, %dma_start3A_117, %dma_start3A_118] : memref<3x32x1024xf32, #tpu.memory_space<vmem>> -> memref<1x32x1024xf32, #tpu.memory_space<vmem>>
      %dma_start3A_120 = tpu.memref_squeeze %dma_start3A_119 : memref<1x32x1024xf32, #tpu.memory_space<vmem>> -> memref<32x1024xf32, #tpu.memory_space<vmem>>
      tpu.enqueue_dma source(%dma_start3A_120 : memref<32x1024xf32, #tpu.memory_space<vmem>>) target(%dma_start3A_116 : memref<32x1024xf32, #tpu.memory_space<hbm>>) target_semaphore(%run_scoped3A_108 : memref<!tpu.dma_semaphore, #tpu.memory_space<semaphore_mem>>)
      %dma_wait3A_121 = arith.constant 0 : i32
      %dma_wait3A_122 = arith.constant 0 : i32
      %dma_wait3A_123 = tpu.memref_slice %arg6[%run_scoped3A_92, %dma_wait3A_121, %dma_wait3A_122] : memref<3x32x1024xf32, #tpu.memory_space<vmem>> -> memref<1x32x1024xf32, #tpu.memory_space<vmem>>
      %dma_wait3A_124 = tpu.memref_squeeze %dma_wait3A_123 : memref<1x32x1024xf32, #tpu.memory_space<vmem>> -> memref<32x1024xf32, #tpu.memory_space<vmem>>
      %dma_wait3A_125 = arith.constant 0 : i32
      %dma_wait3A_126 = tpu.memref_slice %arg4[%add3A_91, %dma_wait3A_125] : memref<4096x1024xf32, #tpu.memory_space<hbm>> -> memref<32x1024xf32, #tpu.memory_space<hbm>>
      %dma_wait3A_127 = arith.constant 0 : i32
      %dma_wait3A_128 = tpu.memref_slice %arg4[%add3A_91, %dma_wait3A_127] : memref<4096x1024xf32, #tpu.memory_space<hbm>> -> memref<32x1024xf32, #tpu.memory_space<hbm>>
      %dma_wait3A_129 = arith.constant 0 : i32
      %dma_wait3A_130 = arith.constant 0 : i32
      %dma_wait3A_131 = tpu.memref_slice %arg6[%run_scoped3A_92, %dma_wait3A_129, %dma_wait3A_130] : memref<3x32x1024xf32, #tpu.memory_space<vmem>> -> memref<1x32x1024xf32, #tpu.memory_space<vmem>>
      %dma_wait3A_132 = tpu.memref_squeeze %dma_wait3A_131 : memref<1x32x1024xf32, #tpu.memory_space<vmem>> -> memref<32x1024xf32, #tpu.memory_space<vmem>>
      tpu.wait_dma2 semaphore(%run_scoped3A_108 : memref<!tpu.dma_semaphore, #tpu.memory_space<semaphore_mem>>) src(%dma_wait3A_132 : memref<32x1024xf32, #tpu.memory_space<vmem>>) dst(%dma_wait3A_128 : memref<32x1024xf32, #tpu.memory_space<hbm>>)
      tpu.yield
    }) : () -> ()
    %dma_wait3A_93 = arith.constant 3 : i32
    %dma_wait3A_94 = arith.constant 0 : i32
    %dma_wait3A_95 = arith.constant 0 : i32
    %dma_wait3A_96 = arith.constant 0 : i32
    %dma_wait3A_97 = tpu.memref_slice %arg6[%dma_wait3A_94, %dma_wait3A_95, %dma_wait3A_96] : memref<3x32x1024xf32, #tpu.memory_space<vmem>> -> memref<1x32x1024xf32, #tpu.memory_space<vmem>>
    %dma_wait3A_98 = tpu.memref_squeeze %dma_wait3A_97 : memref<1x32x1024xf32, #tpu.memory_space<vmem>> -> memref<32x1024xf32, #tpu.memory_space<vmem>>
    %dma_wait3A_99 = arith.constant 0 : i32
    %dma_wait3A_100 = tpu.memref_slice %arg5[%dma_wait3A_93, %dma_wait3A_99] : memref<4x32xi32, #tpu.memory_space<vmem>> -> memref<1x32xi32, #tpu.memory_space<vmem>>
    %dma_wait3A_101 = tpu.memref_squeeze %dma_wait3A_100 : memref<1x32xi32, #tpu.memory_space<vmem>> -> memref<32xi32, #tpu.memory_space<vmem>>
    %dma_wait3A_102 = arith.constant 0 : i32
    %dma_wait3A_103 = arith.constant 0 : i32
    %dma_wait3A_104 = tpu.memref_slice %arg2[%dma_wait3A_102, %dma_wait3A_103] : memref<4096x1024xf32, #tpu.memory_space<hbm>> -> memref<4096x1024xf32, #tpu.memory_space<hbm>>
    tpu.wait_indirect_dma semaphore(%arg7 : memref<!tpu.dma_semaphore, #tpu.memory_space<semaphore_mem>>) src(%dma_wait3A_104 : memref<4096x1024xf32, #tpu.memory_space<hbm>>) dst(%dma_wait3A_98 : memref<32x1024xf32, #tpu.memory_space<vmem>>)
    %add3A_105 = arith.constant 96 : i32
    %add3A_106 = arith.addi %mul3A_2, %add3A_105 : i32
    %run_scoped3A_107 = arith.constant 0 : i32
    "tpu.region"() ({
      %run_scoped3A_108 = tpu.sem_alloc : memref<!tpu.dma_semaphore, #tpu.memory_space<semaphore_mem>>
      %dma_start3A_109 = arith.constant 0 : i32
      %dma_start3A_110 = arith.constant 0 : i32
      %dma_start3A_111 = tpu.memref_slice %arg6[%run_scoped3A_107, %dma_start3A_109, %dma_start3A_110] : memref<3x32x1024xf32, #tpu.memory_space<vmem>> -> memref<1x32x1024xf32, #tpu.memory_space<vmem>>
      %dma_start3A_112 = tpu.memref_squeeze %dma_start3A_111 : memref<1x32x1024xf32, #tpu.memory_space<vmem>> -> memref<32x1024xf32, #tpu.memory_space<vmem>>
      %dma_start3A_113 = arith.constant 0 : i32
      %dma_start3A_114 = tpu.memref_slice %arg4[%add3A_106, %dma_start3A_113] : memref<4096x1024xf32, #tpu.memory_space<hbm>> -> memref<32x1024xf32, #tpu.memory_space<hbm>>
      %dma_start3A_115 = arith.constant 0 : i32
      %dma_start3A_116 = tpu.memref_slice %arg4[%add3A_106, %dma_start3A_115] : memref<4096x1024xf32, #tpu.memory_space<hbm>> -> memref<32x1024xf32, #tpu.memory_space<hbm>>
      %dma_start3A_117 = arith.constant 0 : i32
      %dma_start3A_118 = arith.constant 0 : i32
      %dma_start3A_119 = tpu.memref_slice %arg6[%run_scoped3A_107, %dma_start3A_117, %dma_start3A_118] : memref<3x32x1024xf32, #tpu.memory_space<vmem>> -> memref<1x32x1024xf32, #tpu.memory_space<vmem>>
      %dma_start3A_120 = tpu.memref_squeeze %dma_start3A_119 : memref<1x32x1024xf32, #tpu.memory_space<vmem>> -> memref<32x1024xf32, #tpu.memory_space<vmem>>
      tpu.enqueue_dma source(%dma_start3A_120 : memref<32x1024xf32, #tpu.memory_space<vmem>>) target(%dma_start3A_116 : memref<32x1024xf32, #tpu.memory_space<hbm>>) target_semaphore(%run_scoped3A_108 : memref<!tpu.dma_semaphore, #tpu.memory_space<semaphore_mem>>)
      %dma_wait3A_121 = arith.constant 0 : i32
      %dma_wait3A_122 = arith.constant 0 : i32
      %dma_wait3A_123 = tpu.memref_slice %arg6[%run_scoped3A_107, %dma_wait3A_121, %dma_wait3A_122] : memref<3x32x1024xf32, #tpu.memory_space<vmem>> -> memref<1x32x1024xf32, #tpu.memory_space<vmem>>
      %dma_wait3A_124 = tpu.memref_squeeze %dma_wait3A_123 : memref<1x32x1024xf32, #tpu.memory_space<vmem>> -> memref<32x1024xf32, #tpu.memory_space<vmem>>
      %dma_wait3A_125 = arith.constant 0 : i32
      %dma_wait3A_126 = tpu.memref_slice %arg4[%add3A_106, %dma_wait3A_125] : memref<4096x1024xf32, #tpu.memory_space<hbm>> -> memref<32x1024xf32, #tpu.memory_space<hbm>>
      %dma_wait3A_127 = arith.constant 0 : i32
      %dma_wait3A_128 = tpu.memref_slice %arg4[%add3A_106, %dma_wait3A_127] : memref<4096x1024xf32, #tpu.memory_space<hbm>> -> memref<32x1024xf32, #tpu.memory_space<hbm>>
      %dma_wait3A_129 = arith.constant 0 : i32
      %dma_wait3A_130 = arith.constant 0 : i32
      %dma_wait3A_131 = tpu.memref_slice %arg6[%run_scoped3A_107, %dma_wait3A_129, %dma_wait3A_130] : memref<3x32x1024xf32, #tpu.memory_space<vmem>> -> memref<1x32x1024xf32, #tpu.memory_space<vmem>>
      %dma_wait3A_132 = tpu.memref_squeeze %dma_wait3A_131 : memref<1x32x1024xf32, #tpu.memory_space<vmem>> -> memref<32x1024xf32, #tpu.memory_space<vmem>>
      tpu.wait_dma2 semaphore(%run_scoped3A_108 : memref<!tpu.dma_semaphore, #tpu.memory_space<semaphore_mem>>) src(%dma_wait3A_132 : memref<32x1024xf32, #tpu.memory_space<vmem>>) dst(%dma_wait3A_128 : memref<32x1024xf32, #tpu.memory_space<hbm>>)
      tpu.yield
    }) : () -> ()
    return
  }
}

module attributes {stable_mosaic.version = 14 : i64} {
  func.func @_route_body(%arg0: i32, %arg1: memref<512x1024xf32, #tpu.memory_space<vmem>>, %arg2: memref<8x1024xf32, #tpu.memory_space<vmem>>, %arg3: memref<1024x1024xf32, #tpu.memory_space<vmem>>, %arg4: memref<512x128xf32, #tpu.memory_space<vmem>>, %arg5: memref<512x128xi32, #tpu.memory_space<vmem>>, %arg6: memref<1x128xi32, #tpu.memory_space<vmem>>, %arg7: memref<4096x8xf32, #tpu.memory_space<vmem>>) attributes {dimension_semantics = [#tpu.dimension_semantics<arbitrary>], iteration_bounds = array<i64: 8>, scalar_prefetch = 0 : i64, scratch_operands = 1 : i64, tpu.core_type = #tpu.core_type<tc>, window_params = [{transform_indices = @transform_0, window_bounds = array<i64: 512, 1024>}, {pipeline_mode = #tpu.pipeline_mode<synchronous>, transform_indices = @transform_1, window_bounds = array<i64: 8, 1024>}, {pipeline_mode = #tpu.pipeline_mode<synchronous>, transform_indices = @transform_2, window_bounds = array<i64: 1024, 1024>}, {transform_indices = @transform_3, window_bounds = array<i64: 512, 128>}, {pipeline_mode = #tpu.pipeline_mode<synchronous>, transform_indices = @transform_4, window_bounds = array<i64: 512, 128>}, {pipeline_mode = #tpu.pipeline_mode<synchronous>, transform_indices = @transform_5, window_bounds = array<i64: 1, 128>}]} {
    %get3A = arith.constant 0 : index
    %get3A_0 = arith.constant 0 : index
    %get3A_1 = vector.load %arg1[%get3A, %get3A_0] : memref<512x1024xf32, #tpu.memory_space<vmem>>, vector<512x1024xf32>
    %get3A_2 = arith.constant 0 : index
    %get3A_3 = arith.constant 0 : index
    %get3A_4 = vector.load %arg2[%get3A_2, %get3A_3] : memref<8x1024xf32, #tpu.memory_space<vmem>>, vector<8x1024xf32>
    %mul3A = arith.mulf %get3A_1, %get3A_1 : vector<512x1024xf32>
    %reduce_sum3A = arith.constant dense<0.000000e+00> : vector<512xf32>
    %reduce_sum3A_5 = vector.multi_reduction <add>, %mul3A, %reduce_sum3A [1] : vector<512x1024xf32> to vector<512xf32>
    %broadcast_in_dim3A = vector.shape_cast %reduce_sum3A_5 : vector<512xf32> to vector<512x1xf32>
    %dot_general3A = arith.constant dense<0.000000e+00> : vector<512x8xf32>
    %dot_general3A_6 = tpu.matmul %get3A_1, %get3A_4, %dot_general3A {dimension_numbers = #tpu.dot_dimension_numbers<[1], [1], [0], [0], [0, 0, 1, 0], [], []>, transpose_lhs_hint = false} : vector<512x1024xf32>, vector<8x1024xf32>, vector<512x8xf32> -> vector<512x8xf32>
    %mul3A_7 = arith.mulf %get3A_4, %get3A_4 : vector<8x1024xf32>
    %reduce_sum3A_8 = arith.constant dense<0.000000e+00> : vector<8xf32>
    %reduce_sum3A_9 = vector.multi_reduction <add>, %mul3A_7, %reduce_sum3A_8 [1] : vector<8x1024xf32> to vector<8xf32>
    %mul3A_10 = arith.constant 2.000000e+00 : f32
    %mul3A_11 = vector.broadcast %mul3A_10 : f32 to vector<512x8xf32>
    %mul3A_12 = arith.mulf %mul3A_11, %dot_general3A_6 : vector<512x8xf32>
    %sub3A = vector.broadcast %broadcast_in_dim3A : vector<512x1xf32> to vector<512x8xf32>
    %sub3A_13 = arith.subf %sub3A, %mul3A_12 : vector<512x8xf32>
    %broadcast_in_dim3A_14 = vector.shape_cast %reduce_sum3A_9 : vector<8xf32> to vector<1x8xf32>
    %add3A = vector.broadcast %broadcast_in_dim3A_14 : vector<1x8xf32> to vector<512x8xf32>
    %add3A_15 = arith.addf %sub3A_13, %add3A : vector<512x8xf32>
    %slice3A = vector.extract_strided_slice %add3A_15 {offsets = [0, 0], sizes = [512, 1], strides = [1, 1]} : vector<512x8xf32> to vector<512x1xf32>
    %broadcast_in_dim3A_16 = arith.constant 0 : i32
    %broadcast_in_dim3A_17 = vector.broadcast %broadcast_in_dim3A_16 : i32 to vector<512x1xi32>
    %slice3A_18 = vector.extract_strided_slice %add3A_15 {offsets = [0, 1], sizes = [512, 1], strides = [1, 1]} : vector<512x8xf32> to vector<512x1xf32>
    %lt3A = arith.cmpf olt, %slice3A_18, %slice3A : vector<512x1xf32>
    %jit3A = arith.constant 1 : i32
    %broadcast_in_dim3A_19 = vector.broadcast %jit3A : i32 to vector<512x1xi32>
    %select_n3A = arith.select %lt3A, %broadcast_in_dim3A_19, %broadcast_in_dim3A_17 : vector<512x1xi1>, vector<512x1xi32>
    %select_n3A_20 = arith.select %lt3A, %slice3A_18, %slice3A : vector<512x1xi1>, vector<512x1xf32>
    %slice3A_21 = vector.extract_strided_slice %add3A_15 {offsets = [0, 2], sizes = [512, 1], strides = [1, 1]} : vector<512x8xf32> to vector<512x1xf32>
    %lt3A_22 = arith.cmpf olt, %slice3A_21, %select_n3A_20 : vector<512x1xf32>
    %jit3A_23 = arith.constant 2 : i32
    %broadcast_in_dim3A_24 = vector.broadcast %jit3A_23 : i32 to vector<512x1xi32>
    %select_n3A_25 = arith.select %lt3A_22, %broadcast_in_dim3A_24, %select_n3A : vector<512x1xi1>, vector<512x1xi32>
    %select_n3A_26 = arith.select %lt3A_22, %slice3A_21, %select_n3A_20 : vector<512x1xi1>, vector<512x1xf32>
    %slice3A_27 = vector.extract_strided_slice %add3A_15 {offsets = [0, 3], sizes = [512, 1], strides = [1, 1]} : vector<512x8xf32> to vector<512x1xf32>
    %lt3A_28 = arith.cmpf olt, %slice3A_27, %select_n3A_26 : vector<512x1xf32>
    %jit3A_29 = arith.constant 3 : i32
    %broadcast_in_dim3A_30 = vector.broadcast %jit3A_29 : i32 to vector<512x1xi32>
    %select_n3A_31 = arith.select %lt3A_28, %broadcast_in_dim3A_30, %select_n3A_25 : vector<512x1xi1>, vector<512x1xi32>
    %select_n3A_32 = arith.select %lt3A_28, %slice3A_27, %select_n3A_26 : vector<512x1xi1>, vector<512x1xf32>
    %slice3A_33 = vector.extract_strided_slice %add3A_15 {offsets = [0, 4], sizes = [512, 1], strides = [1, 1]} : vector<512x8xf32> to vector<512x1xf32>
    %lt3A_34 = arith.cmpf olt, %slice3A_33, %select_n3A_32 : vector<512x1xf32>
    %jit3A_35 = arith.constant 4 : i32
    %broadcast_in_dim3A_36 = vector.broadcast %jit3A_35 : i32 to vector<512x1xi32>
    %select_n3A_37 = arith.select %lt3A_34, %broadcast_in_dim3A_36, %select_n3A_31 : vector<512x1xi1>, vector<512x1xi32>
    %select_n3A_38 = arith.select %lt3A_34, %slice3A_33, %select_n3A_32 : vector<512x1xi1>, vector<512x1xf32>
    %slice3A_39 = vector.extract_strided_slice %add3A_15 {offsets = [0, 5], sizes = [512, 1], strides = [1, 1]} : vector<512x8xf32> to vector<512x1xf32>
    %lt3A_40 = arith.cmpf olt, %slice3A_39, %select_n3A_38 : vector<512x1xf32>
    %jit3A_41 = arith.constant 5 : i32
    %broadcast_in_dim3A_42 = vector.broadcast %jit3A_41 : i32 to vector<512x1xi32>
    %select_n3A_43 = arith.select %lt3A_40, %broadcast_in_dim3A_42, %select_n3A_37 : vector<512x1xi1>, vector<512x1xi32>
    %select_n3A_44 = arith.select %lt3A_40, %slice3A_39, %select_n3A_38 : vector<512x1xi1>, vector<512x1xf32>
    %slice3A_45 = vector.extract_strided_slice %add3A_15 {offsets = [0, 6], sizes = [512, 1], strides = [1, 1]} : vector<512x8xf32> to vector<512x1xf32>
    %lt3A_46 = arith.cmpf olt, %slice3A_45, %select_n3A_44 : vector<512x1xf32>
    %jit3A_47 = arith.constant 6 : i32
    %broadcast_in_dim3A_48 = vector.broadcast %jit3A_47 : i32 to vector<512x1xi32>
    %select_n3A_49 = arith.select %lt3A_46, %broadcast_in_dim3A_48, %select_n3A_43 : vector<512x1xi1>, vector<512x1xi32>
    %select_n3A_50 = arith.select %lt3A_46, %slice3A_45, %select_n3A_44 : vector<512x1xi1>, vector<512x1xf32>
    %slice3A_51 = vector.extract_strided_slice %add3A_15 {offsets = [0, 7], sizes = [512, 1], strides = [1, 1]} : vector<512x8xf32> to vector<512x1xf32>
    %lt3A_52 = arith.cmpf olt, %slice3A_51, %select_n3A_50 : vector<512x1xf32>
    %jit3A_53 = arith.constant 7 : i32
    %broadcast_in_dim3A_54 = vector.broadcast %jit3A_53 : i32 to vector<512x1xi32>
    %select_n3A_55 = arith.select %lt3A_52, %broadcast_in_dim3A_54, %select_n3A_49 : vector<512x1xi1>, vector<512x1xi32>
    %iota3A = tpu.iota {dimensions = array<i32: 1>} : vector<1x8xi32>
    %eq3A = vector.broadcast %select_n3A_55 : vector<512x1xi32> to vector<512x8xi32>
    %eq3A_56 = vector.broadcast %iota3A : vector<1x8xi32> to vector<512x8xi32>
    %eq3A_57 = arith.cmpi eq, %eq3A, %eq3A_56 : vector<512x8xi32>
    %convert_element_type3A = arith.extui %eq3A_57 : vector<512x8xi1> to vector<512x8xi32>
    %convert_element_type3A_58 = arith.sitofp %convert_element_type3A : vector<512x8xi32> to vector<512x8xf32>
    %mul3A_59 = arith.constant 512 : i32
    %mul3A_60 = arith.muli %arg0, %mul3A_59 : i32
    %swap3A = arith.index_cast %mul3A_60 : i32 to index
    %swap3A_61 = arith.constant 0 : index
    %swap3A_62 = vector.load %arg7[%swap3A, %swap3A_61] : memref<4096x8xf32, #tpu.memory_space<vmem>>, vector<512x8xf32>
    tpu.vector_store %arg7[%swap3A, %swap3A_61], %convert_element_type3A_58 {strides = array<i32>} : memref<4096x8xf32, #tpu.memory_space<vmem>>, vector<512x8xf32>,
    %get3A_63 = arith.constant 0 : index
    %get3A_64 = arith.constant 0 : index
    %get3A_65 = vector.load %arg3[%get3A_63, %get3A_64] : memref<1024x1024xf32, #tpu.memory_space<vmem>>, vector<1024x1024xf32>
    %dot_general3A_66 = arith.constant dense<0.000000e+00> : vector<512x1024xf32>
    %dot_general3A_67 = tpu.matmul %get3A_1, %get3A_65, %dot_general3A_66 {dimension_numbers = #tpu.dot_dimension_numbers<[1], [0], [0], [1], [0, 0, 1, 1], [], []>, transpose_lhs_hint = false} : vector<512x1024xf32>, vector<1024x1024xf32>, vector<512x1024xf32> -> vector<512x1024xf32>
    %broadcast_in_dim3A_68 = arith.constant 0.000000e+00 : f32
    %broadcast_in_dim3A_69 = vector.broadcast %broadcast_in_dim3A_68 : f32 to vector<512x128xf32>
    %eq3A_70 = arith.constant 0 : i32
    %eq3A_71 = vector.broadcast %eq3A_70 : i32 to vector<512x1xi32>
    %eq3A_72 = arith.cmpi eq, %select_n3A_55, %eq3A_71 : vector<512x1xi32>
    %convert_element_type3A_73 = arith.extui %eq3A_72 : vector<512x1xi1> to vector<512x1xi32>
    %convert_element_type3A_74 = arith.sitofp %convert_element_type3A_73 : vector<512x1xi32> to vector<512x1xf32>
    %slice3A_75 = vector.extract_strided_slice %dot_general3A_67 {offsets = [0, 0], sizes = [512, 128], strides = [1, 1]} : vector<512x1024xf32> to vector<512x128xf32>
    %mul3A_76 = vector.broadcast %convert_element_type3A_74 : vector<512x1xf32> to vector<512x128xf32>
    %mul3A_77 = arith.mulf %slice3A_75, %mul3A_76 : vector<512x128xf32>
    %add3A_78 = arith.addf %broadcast_in_dim3A_69, %mul3A_77 : vector<512x128xf32>
    %eq3A_79 = arith.constant 1 : i32
    %eq3A_80 = vector.broadcast %eq3A_79 : i32 to vector<512x1xi32>
    %eq3A_81 = arith.cmpi eq, %select_n3A_55, %eq3A_80 : vector<512x1xi32>
    %convert_element_type3A_82 = arith.extui %eq3A_81 : vector<512x1xi1> to vector<512x1xi32>
    %convert_element_type3A_83 = arith.sitofp %convert_element_type3A_82 : vector<512x1xi32> to vector<512x1xf32>
    %slice3A_84 = vector.extract_strided_slice %dot_general3A_67 {offsets = [0, 128], sizes = [512, 128], strides = [1, 1]} : vector<512x1024xf32> to vector<512x128xf32>
    %mul3A_85 = vector.broadcast %convert_element_type3A_83 : vector<512x1xf32> to vector<512x128xf32>
    %mul3A_86 = arith.mulf %slice3A_84, %mul3A_85 : vector<512x128xf32>
    %add3A_87 = arith.addf %add3A_78, %mul3A_86 : vector<512x128xf32>
    %eq3A_88 = arith.constant 2 : i32
    %eq3A_89 = vector.broadcast %eq3A_88 : i32 to vector<512x1xi32>
    %eq3A_90 = arith.cmpi eq, %select_n3A_55, %eq3A_89 : vector<512x1xi32>
    %convert_element_type3A_91 = arith.extui %eq3A_90 : vector<512x1xi1> to vector<512x1xi32>
    %convert_element_type3A_92 = arith.sitofp %convert_element_type3A_91 : vector<512x1xi32> to vector<512x1xf32>
    %slice3A_93 = vector.extract_strided_slice %dot_general3A_67 {offsets = [0, 256], sizes = [512, 128], strides = [1, 1]} : vector<512x1024xf32> to vector<512x128xf32>
    %mul3A_94 = vector.broadcast %convert_element_type3A_92 : vector<512x1xf32> to vector<512x128xf32>
    %mul3A_95 = arith.mulf %slice3A_93, %mul3A_94 : vector<512x128xf32>
    %add3A_96 = arith.addf %add3A_87, %mul3A_95 : vector<512x128xf32>
    %eq3A_97 = arith.constant 3 : i32
    %eq3A_98 = vector.broadcast %eq3A_97 : i32 to vector<512x1xi32>
    %eq3A_99 = arith.cmpi eq, %select_n3A_55, %eq3A_98 : vector<512x1xi32>
    %convert_element_type3A_100 = arith.extui %eq3A_99 : vector<512x1xi1> to vector<512x1xi32>
    %convert_element_type3A_101 = arith.sitofp %convert_element_type3A_100 : vector<512x1xi32> to vector<512x1xf32>
    %slice3A_102 = vector.extract_strided_slice %dot_general3A_67 {offsets = [0, 384], sizes = [512, 128], strides = [1, 1]} : vector<512x1024xf32> to vector<512x128xf32>
    %mul3A_103 = vector.broadcast %convert_element_type3A_101 : vector<512x1xf32> to vector<512x128xf32>
    %mul3A_104 = arith.mulf %slice3A_102, %mul3A_103 : vector<512x128xf32>
    %add3A_105 = arith.addf %add3A_96, %mul3A_104 : vector<512x128xf32>
    %eq3A_106 = arith.constant 4 : i32
    %eq3A_107 = vector.broadcast %eq3A_106 : i32 to vector<512x1xi32>
    %eq3A_108 = arith.cmpi eq, %select_n3A_55, %eq3A_107 : vector<512x1xi32>
    %convert_element_type3A_109 = arith.extui %eq3A_108 : vector<512x1xi1> to vector<512x1xi32>
    %convert_element_type3A_110 = arith.sitofp %convert_element_type3A_109 : vector<512x1xi32> to vector<512x1xf32>
    %slice3A_111 = vector.extract_strided_slice %dot_general3A_67 {offsets = [0, 512], sizes = [512, 128], strides = [1, 1]} : vector<512x1024xf32> to vector<512x128xf32>
    %mul3A_112 = vector.broadcast %convert_element_type3A_110 : vector<512x1xf32> to vector<512x128xf32>
    %mul3A_113 = arith.mulf %slice3A_111, %mul3A_112 : vector<512x128xf32>
    %add3A_114 = arith.addf %add3A_105, %mul3A_113 : vector<512x128xf32>
    %eq3A_115 = arith.constant 5 : i32
    %eq3A_116 = vector.broadcast %eq3A_115 : i32 to vector<512x1xi32>
    %eq3A_117 = arith.cmpi eq, %select_n3A_55, %eq3A_116 : vector<512x1xi32>
    %convert_element_type3A_118 = arith.extui %eq3A_117 : vector<512x1xi1> to vector<512x1xi32>
    %convert_element_type3A_119 = arith.sitofp %convert_element_type3A_118 : vector<512x1xi32> to vector<512x1xf32>
    %slice3A_120 = vector.extract_strided_slice %dot_general3A_67 {offsets = [0, 640], sizes = [512, 128], strides = [1, 1]} : vector<512x1024xf32> to vector<512x128xf32>
    %mul3A_121 = vector.broadcast %convert_element_type3A_119 : vector<512x1xf32> to vector<512x128xf32>
    %mul3A_122 = arith.mulf %slice3A_120, %mul3A_121 : vector<512x128xf32>
    %add3A_123 = arith.addf %add3A_114, %mul3A_122 : vector<512x128xf32>
    %eq3A_124 = arith.constant 6 : i32
    %eq3A_125 = vector.broadcast %eq3A_124 : i32 to vector<512x1xi32>
    %eq3A_126 = arith.cmpi eq, %select_n3A_55, %eq3A_125 : vector<512x1xi32>
    %convert_element_type3A_127 = arith.extui %eq3A_126 : vector<512x1xi1> to vector<512x1xi32>
    %convert_element_type3A_128 = arith.sitofp %convert_element_type3A_127 : vector<512x1xi32> to vector<512x1xf32>
    %slice3A_129 = vector.extract_strided_slice %dot_general3A_67 {offsets = [0, 768], sizes = [512, 128], strides = [1, 1]} : vector<512x1024xf32> to vector<512x128xf32>
    %mul3A_130 = vector.broadcast %convert_element_type3A_128 : vector<512x1xf32> to vector<512x128xf32>
    %mul3A_131 = arith.mulf %slice3A_129, %mul3A_130 : vector<512x128xf32>
    %add3A_132 = arith.addf %add3A_123, %mul3A_131 : vector<512x128xf32>
    %eq3A_133 = arith.constant 7 : i32
    %eq3A_134 = vector.broadcast %eq3A_133 : i32 to vector<512x1xi32>
    %eq3A_135 = arith.cmpi eq, %select_n3A_55, %eq3A_134 : vector<512x1xi32>
    %convert_element_type3A_136 = arith.extui %eq3A_135 : vector<512x1xi1> to vector<512x1xi32>
    %convert_element_type3A_137 = arith.sitofp %convert_element_type3A_136 : vector<512x1xi32> to vector<512x1xf32>
    %slice3A_138 = vector.extract_strided_slice %dot_general3A_67 {offsets = [0, 896], sizes = [512, 128], strides = [1, 1]} : vector<512x1024xf32> to vector<512x128xf32>
    %mul3A_139 = vector.broadcast %convert_element_type3A_137 : vector<512x1xf32> to vector<512x128xf32>
    %mul3A_140 = arith.mulf %slice3A_138, %mul3A_139 : vector<512x128xf32>
    %add3A_141 = arith.addf %add3A_132, %mul3A_140 : vector<512x128xf32>
    %swap3A_142 = arith.constant 0 : index
    %swap3A_143 = arith.constant 0 : index
    %swap3A_144 = vector.load %arg4[%swap3A_142, %swap3A_143] : memref<512x128xf32, #tpu.memory_space<vmem>>, vector<512x128xf32>
    tpu.vector_store %arg4[%swap3A_142, %swap3A_143], %add3A_141 {strides = array<i32>} : memref<512x128xf32, #tpu.memory_space<vmem>>, vector<512x128xf32>,
    %eq3A_145 = arith.constant 7 : i32
    %eq3A_146 = arith.cmpi eq, %arg0, %eq3A_145 : i32
    %convert_element_type3A_147 = arith.extui %eq3A_146 : i1 to i32
    %cond3A = arith.constant 0 : i32
    %cond3A_148 = arith.cmpi ne, %convert_element_type3A_147, %cond3A : i32
    scf.if %cond3A_148 {
      %get3A_149 = arith.constant 0 : index
      %get3A_150 = arith.constant 0 : index
      %get3A_151 = vector.load %arg7[%get3A_149, %get3A_150] : memref<4096x8xf32, #tpu.memory_space<vmem>>, vector<512x8xf32>
      %get3A_152 = arith.constant 512 : index
      %get3A_153 = arith.constant 0 : index
      %get3A_154 = vector.load %arg7[%get3A_152, %get3A_153] : memref<4096x8xf32, #tpu.memory_space<vmem>>, vector<512x8xf32>
      %get3A_155 = arith.constant 1024 : index
      %get3A_156 = arith.constant 0 : index
      %get3A_157 = vector.load %arg7[%get3A_155, %get3A_156] : memref<4096x8xf32, #tpu.memory_space<vmem>>, vector<512x8xf32>
      %get3A_158 = arith.constant 1536 : index
      %get3A_159 = arith.constant 0 : index
      %get3A_160 = vector.load %arg7[%get3A_158, %get3A_159] : memref<4096x8xf32, #tpu.memory_space<vmem>>, vector<512x8xf32>
      %get3A_161 = arith.constant 2048 : index
      %get3A_162 = arith.constant 0 : index
      %get3A_163 = vector.load %arg7[%get3A_161, %get3A_162] : memref<4096x8xf32, #tpu.memory_space<vmem>>, vector<512x8xf32>
      %get3A_164 = arith.constant 2560 : index
      %get3A_165 = arith.constant 0 : index
      %get3A_166 = vector.load %arg7[%get3A_164, %get3A_165] : memref<4096x8xf32, #tpu.memory_space<vmem>>, vector<512x8xf32>
      %get3A_167 = arith.constant 3072 : index
      %get3A_168 = arith.constant 0 : index
      %get3A_169 = vector.load %arg7[%get3A_167, %get3A_168] : memref<4096x8xf32, #tpu.memory_space<vmem>>, vector<512x8xf32>
      %get3A_170 = arith.constant 3584 : index
      %get3A_171 = arith.constant 0 : index
      %get3A_172 = vector.load %arg7[%get3A_170, %get3A_171] : memref<4096x8xf32, #tpu.memory_space<vmem>>, vector<512x8xf32>
      %concatenate3A = tpu.concatenate %get3A_151, %get3A_154, %get3A_157, %get3A_160, %get3A_163, %get3A_166, %get3A_169, %get3A_172 in 1 : vector<512x8xf32>, vector<512x8xf32>, vector<512x8xf32>, vector<512x8xf32>, vector<512x8xf32>, vector<512x8xf32>, vector<512x8xf32>, vector<512x8xf32> -> vector<512x64xf32>
      %iota3A_173 = tpu.iota {dimensions = array<i32: 0>} : vector<512x512xi32>
      %iota3A_174 = tpu.iota {dimensions = array<i32: 1>} : vector<512x512xi32>
      %ge3A = arith.cmpi sge, %iota3A_173, %iota3A_174 : vector<512x512xi32>
      %jit3A_175 = arith.constant 1.000000e+00 : f32
      %jit3A_176 = arith.constant 0.000000e+00 : f32
      %broadcast_in_dim3A_177 = vector.broadcast %jit3A_175 : f32 to vector<512x512xf32>
      %broadcast_in_dim3A_178 = vector.broadcast %jit3A_176 : f32 to vector<512x512xf32>
      %select_n3A_179 = arith.select %ge3A, %broadcast_in_dim3A_177, %broadcast_in_dim3A_178 : vector<512x512xi1>, vector<512x512xf32>
      %dot_general3A_180 = arith.constant dense<0.000000e+00> : vector<512x64xf32>
      %dot_general3A_181 = tpu.matmul %select_n3A_179, %concatenate3A, %dot_general3A_180 {dimension_numbers = #tpu.dot_dimension_numbers<[1], [0], [0], [1], [0, 0, 1, 1], [], []>, transpose_lhs_hint = false} : vector<512x512xf32>, vector<512x64xf32>, vector<512x64xf32> -> vector<512x64xf32>
      %slice3A_182 = vector.extract_strided_slice %dot_general3A_181 {offsets = [511, 0], sizes = [1, 64], strides = [1, 1]} : vector<512x64xf32> to vector<1x64xf32>
      %iota3A_183 = tpu.iota {dimensions = array<i32: 0>} : vector<64x64xi32>
      %iota3A_184 = tpu.iota {dimensions = array<i32: 1>} : vector<64x64xi32>
      %jit3A_185 = arith.constant 8 : i32
      %eq3A_186 = arith.constant 0 : i32
      %eq3A_187 = arith.cmpi eq, %jit3A_185, %eq3A_186 : i32
      %jit3A_188 = arith.constant 1 : i32
      %select_n3A_189 = arith.select %eq3A_187, %jit3A_188, %jit3A_185 : i32
      %rem3A = vector.broadcast %select_n3A_189 : i32 to vector<64x64xi32>
      %rem3A_190 = arith.remsi %iota3A_183, %rem3A : vector<64x64xi32>
      %ne3A = arith.constant 0 : i32
      %ne3A_191 = vector.broadcast %ne3A : i32 to vector<64x64xi32>
      %ne3A_192 = arith.cmpi ne, %rem3A_190, %ne3A_191 : vector<64x64xi32>
      %lt3A_193 = arith.constant 0 : i32
      %lt3A_194 = vector.broadcast %lt3A_193 : i32 to vector<64x64xi32>
      %lt3A_195 = arith.cmpi slt, %rem3A_190, %lt3A_194 : vector<64x64xi32>
      %lt3A_196 = arith.constant 0 : i32
      %lt3A_197 = arith.cmpi slt, %select_n3A_189, %lt3A_196 : i32
      %ne3A_198 = vector.broadcast %lt3A_197 : i1 to vector<64x64xi1>
      %ne3A_199 = vector.broadcast %ne3A_198 : vector<64x64xi1> to vector<64x64xi1>
      %ne3A_200 = arith.xori %lt3A_195, %ne3A_199 : vector<64x64xi1>
      %and3A = arith.andi %ne3A_200, %ne3A_192 : vector<64x64xi1>
      %add3A_201 = vector.broadcast %select_n3A_189 : i32 to vector<64x64xi32>
      %add3A_202 = arith.addi %rem3A_190, %add3A_201 : vector<64x64xi32>
      %select_n3A_203 = arith.select %and3A, %add3A_202, %rem3A_190 : vector<64x64xi1>, vector<64x64xi32>
      %jit3A_204 = arith.constant 8 : i32
      %eq3A_205 = arith.constant 0 : i32
      %eq3A_206 = arith.cmpi eq, %jit3A_204, %eq3A_205 : i32
      %jit3A_207 = arith.constant 1 : i32
      %select_n3A_208 = arith.select %eq3A_206, %jit3A_207, %jit3A_204 : i32
      %rem3A_209 = vector.broadcast %select_n3A_208 : i32 to vector<64x64xi32>
      %rem3A_210 = arith.remsi %iota3A_184, %rem3A_209 : vector<64x64xi32>
      %ne3A_211 = arith.constant 0 : i32
      %ne3A_212 = vector.broadcast %ne3A_211 : i32 to vector<64x64xi32>
      %ne3A_213 = arith.cmpi ne, %rem3A_210, %ne3A_212 : vector<64x64xi32>
      %lt3A_214 = arith.constant 0 : i32
      %lt3A_215 = vector.broadcast %lt3A_214 : i32 to vector<64x64xi32>
      %lt3A_216 = arith.cmpi slt, %rem3A_210, %lt3A_215 : vector<64x64xi32>
      %lt3A_217 = arith.constant 0 : i32
      %lt3A_218 = arith.cmpi slt, %select_n3A_208, %lt3A_217 : i32
      %ne3A_219 = vector.broadcast %lt3A_218 : i1 to vector<64x64xi1>
      %ne3A_220 = vector.broadcast %ne3A_219 : vector<64x64xi1> to vector<64x64xi1>
      %ne3A_221 = arith.xori %lt3A_216, %ne3A_220 : vector<64x64xi1>
      %and3A_222 = arith.andi %ne3A_221, %ne3A_213 : vector<64x64xi1>
      %add3A_223 = vector.broadcast %select_n3A_208 : i32 to vector<64x64xi32>
      %add3A_224 = arith.addi %rem3A_210, %add3A_223 : vector<64x64xi32>
      %select_n3A_225 = arith.select %and3A_222, %add3A_224, %rem3A_210 : vector<64x64xi1>, vector<64x64xi32>
      %eq3A_226 = arith.cmpi eq, %select_n3A_203, %select_n3A_225 : vector<64x64xi32>
      %jit3A_227 = arith.constant 8 : i32
      %div3A = vector.broadcast %jit3A_227 : i32 to vector<64x64xi32>
      %div3A_228 = arith.divsi %iota3A_183, %div3A : vector<64x64xi32>
      %sign3A = arith.constant 0 : i32
      %sign3A_229 = vector.broadcast %sign3A : i32 to vector<64x64xi32>
      %sign3A_230 = arith.cmpi sgt, %iota3A_183, %sign3A_229 : vector<64x64xi32>
      %sign3A_231 = arith.extui %sign3A_230 : vector<64x64xi1> to vector<64x64xi32>
      %sign3A_232 = arith.constant 0 : i32
      %sign3A_233 = vector.broadcast %sign3A_232 : i32 to vector<64x64xi32>
      %sign3A_234 = arith.cmpi slt, %iota3A_183, %sign3A_233 : vector<64x64xi32>
      %sign3A_235 = arith.extui %sign3A_234 : vector<64x64xi1> to vector<64x64xi32>
      %sign3A_236 = arith.subi %sign3A_231, %sign3A_235 : vector<64x64xi32>
      %sign3A_237 = arith.constant 0 : i32
      %sign3A_238 = arith.cmpi sgt, %jit3A_227, %sign3A_237 : i32
      %sign3A_239 = arith.extui %sign3A_238 : i1 to i32
      %sign3A_240 = arith.constant 0 : i32
      %sign3A_241 = arith.cmpi slt, %jit3A_227, %sign3A_240 : i32
      %sign3A_242 = arith.extui %sign3A_241 : i1 to i32
      %sign3A_243 = arith.subi %sign3A_239, %sign3A_242 : i32
      %ne3A_244 = vector.broadcast %sign3A_243 : i32 to vector<64x64xi32>
      %ne3A_245 = arith.cmpi ne, %sign3A_236, %ne3A_244 : vector<64x64xi32>
      %rem3A_246 = vector.broadcast %jit3A_227 : i32 to vector<64x64xi32>
      %rem3A_247 = arith.remsi %iota3A_183, %rem3A_246 : vector<64x64xi32>
      %ne3A_248 = arith.constant 0 : i32
      %ne3A_249 = vector.broadcast %ne3A_248 : i32 to vector<64x64xi32>
      %ne3A_250 = arith.cmpi ne, %rem3A_247, %ne3A_249 : vector<64x64xi32>
      %and3A_251 = arith.andi %ne3A_245, %ne3A_250 : vector<64x64xi1>
      %sub3A_252 = arith.constant 1 : i32
      %sub3A_253 = vector.broadcast %sub3A_252 : i32 to vector<64x64xi32>
      %sub3A_254 = arith.subi %div3A_228, %sub3A_253 : vector<64x64xi32>
      %select_n3A_255 = arith.select %and3A_251, %sub3A_254, %div3A_228 : vector<64x64xi1>, vector<64x64xi32>
      %jit3A_256 = arith.constant 8 : i32
      %div3A_257 = vector.broadcast %jit3A_256 : i32 to vector<64x64xi32>
      %div3A_258 = arith.divsi %iota3A_184, %div3A_257 : vector<64x64xi32>
      %sign3A_259 = arith.constant 0 : i32
      %sign3A_260 = vector.broadcast %sign3A_259 : i32 to vector<64x64xi32>
      %sign3A_261 = arith.cmpi sgt, %iota3A_184, %sign3A_260 : vector<64x64xi32>
      %sign3A_262 = arith.extui %sign3A_261 : vector<64x64xi1> to vector<64x64xi32>
      %sign3A_263 = arith.constant 0 : i32
      %sign3A_264 = vector.broadcast %sign3A_263 : i32 to vector<64x64xi32>
      %sign3A_265 = arith.cmpi slt, %iota3A_184, %sign3A_264 : vector<64x64xi32>
      %sign3A_266 = arith.extui %sign3A_265 : vector<64x64xi1> to vector<64x64xi32>
      %sign3A_267 = arith.subi %sign3A_262, %sign3A_266 : vector<64x64xi32>
      %sign3A_268 = arith.constant 0 : i32
      %sign3A_269 = arith.cmpi sgt, %jit3A_256, %sign3A_268 : i32
      %sign3A_270 = arith.extui %sign3A_269 : i1 to i32
      %sign3A_271 = arith.constant 0 : i32
      %sign3A_272 = arith.cmpi slt, %jit3A_256, %sign3A_271 : i32
      %sign3A_273 = arith.extui %sign3A_272 : i1 to i32
      %sign3A_274 = arith.subi %sign3A_270, %sign3A_273 : i32
      %ne3A_275 = vector.broadcast %sign3A_274 : i32 to vector<64x64xi32>
      %ne3A_276 = arith.cmpi ne, %sign3A_267, %ne3A_275 : vector<64x64xi32>
      %rem3A_277 = vector.broadcast %jit3A_256 : i32 to vector<64x64xi32>
      %rem3A_278 = arith.remsi %iota3A_184, %rem3A_277 : vector<64x64xi32>
      %ne3A_279 = arith.constant 0 : i32
      %ne3A_280 = vector.broadcast %ne3A_279 : i32 to vector<64x64xi32>
      %ne3A_281 = arith.cmpi ne, %rem3A_278, %ne3A_280 : vector<64x64xi32>
      %and3A_282 = arith.andi %ne3A_276, %ne3A_281 : vector<64x64xi1>
      %sub3A_283 = arith.constant 1 : i32
      %sub3A_284 = vector.broadcast %sub3A_283 : i32 to vector<64x64xi32>
      %sub3A_285 = arith.subi %div3A_258, %sub3A_284 : vector<64x64xi32>
      %select_n3A_286 = arith.select %and3A_282, %sub3A_285, %div3A_258 : vector<64x64xi1>, vector<64x64xi32>
      %lt3A_287 = arith.cmpi slt, %select_n3A_255, %select_n3A_286 : vector<64x64xi32>
      %and3A_288 = arith.andi %eq3A_226, %lt3A_287 : vector<64x64xi1>
      %jit3A_289 = arith.constant 1.000000e+00 : f32
      %jit3A_290 = arith.constant 0.000000e+00 : f32
      %broadcast_in_dim3A_291 = vector.broadcast %jit3A_289 : f32 to vector<64x64xf32>
      %broadcast_in_dim3A_292 = vector.broadcast %jit3A_290 : f32 to vector<64x64xf32>
      %select_n3A_293 = arith.select %and3A_288, %broadcast_in_dim3A_291, %broadcast_in_dim3A_292 : vector<64x64xi1>, vector<64x64xf32>
      %dot_general3A_294 = arith.constant dense<0.000000e+00> : vector<1x64xf32>
      %dot_general3A_295 = tpu.matmul %slice3A_182, %select_n3A_293, %dot_general3A_294 {dimension_numbers = #tpu.dot_dimension_numbers<[1], [0], [0], [1], [0, 0, 1, 1], [], []>, precision = #tpu.contract_precision<fp32>, transpose_lhs_hint = false} : vector<1x64xf32>, vector<64x64xf32>, vector<1x64xf32> -> vector<1x64xf32>
      %add3A_296 = vector.broadcast %dot_general3A_295 : vector<1x64xf32> to vector<512x64xf32>
      %add3A_297 = arith.addf %dot_general3A_181, %add3A_296 : vector<512x64xf32>
      %iota3A_298 = tpu.iota {dimensions = array<i32: 0>} : vector<64x8xi32>
      %iota3A_299 = tpu.iota {dimensions = array<i32: 1>} : vector<64x8xi32>
      %jit3A_300 = arith.constant 8 : i32
      %eq3A_301 = arith.constant 0 : i32
      %eq3A_302 = arith.cmpi eq, %jit3A_300, %eq3A_301 : i32
      %jit3A_303 = arith.constant 1 : i32
      %select_n3A_304 = arith.select %eq3A_302, %jit3A_303, %jit3A_300 : i32
      %rem3A_305 = vector.broadcast %select_n3A_304 : i32 to vector<64x8xi32>
      %rem3A_306 = arith.remsi %iota3A_298, %rem3A_305 : vector<64x8xi32>
      %ne3A_307 = arith.constant 0 : i32
      %ne3A_308 = vector.broadcast %ne3A_307 : i32 to vector<64x8xi32>
      %ne3A_309 = arith.cmpi ne, %rem3A_306, %ne3A_308 : vector<64x8xi32>
      %lt3A_310 = arith.constant 0 : i32
      %lt3A_311 = vector.broadcast %lt3A_310 : i32 to vector<64x8xi32>
      %lt3A_312 = arith.cmpi slt, %rem3A_306, %lt3A_311 : vector<64x8xi32>
      %lt3A_313 = arith.constant 0 : i32
      %lt3A_314 = arith.cmpi slt, %select_n3A_304, %lt3A_313 : i32
      %ne3A_315 = vector.broadcast %lt3A_314 : i1 to vector<64x8xi1>
      %ne3A_316 = vector.broadcast %ne3A_315 : vector<64x8xi1> to vector<64x8xi1>
      %ne3A_317 = arith.xori %lt3A_312, %ne3A_316 : vector<64x8xi1>
      %and3A_318 = arith.andi %ne3A_317, %ne3A_309 : vector<64x8xi1>
      %add3A_319 = vector.broadcast %select_n3A_304 : i32 to vector<64x8xi32>
      %add3A_320 = arith.addi %rem3A_306, %add3A_319 : vector<64x8xi32>
      %select_n3A_321 = arith.select %and3A_318, %add3A_320, %rem3A_306 : vector<64x8xi1>, vector<64x8xi32>
      %eq3A_322 = arith.cmpi eq, %select_n3A_321, %iota3A_299 : vector<64x8xi32>
      %jit3A_323 = arith.constant 1.000000e+00 : f32
      %jit3A_324 = arith.constant 0.000000e+00 : f32
      %broadcast_in_dim3A_325 = vector.broadcast %jit3A_323 : f32 to vector<64x8xf32>
      %broadcast_in_dim3A_326 = vector.broadcast %jit3A_324 : f32 to vector<64x8xf32>
      %select_n3A_327 = arith.select %eq3A_322, %broadcast_in_dim3A_325, %broadcast_in_dim3A_326 : vector<64x8xi1>, vector<64x8xf32>
      %dot_general3A_328 = arith.constant dense<0.000000e+00> : vector<1x8xf32>
      %dot_general3A_329 = tpu.matmul %slice3A_182, %select_n3A_327, %dot_general3A_328 {dimension_numbers = #tpu.dot_dimension_numbers<[1], [0], [0], [1], [0, 0, 1, 1], [], []>, precision = #tpu.contract_precision<fp32>, transpose_lhs_hint = false} : vector<1x64xf32>, vector<64x8xf32>, vector<1x8xf32> -> vector<1x8xf32>
      %iota3A_330 = tpu.iota {dimensions = array<i32: 0>} : vector<8x64xi32>
      %iota3A_331 = tpu.iota {dimensions = array<i32: 1>} : vector<8x64xi32>
      %jit3A_332 = arith.constant 8 : i32
      %eq3A_333 = arith.constant 0 : i32
      %eq3A_334 = arith.cmpi eq, %jit3A_332, %eq3A_333 : i32
      %jit3A_335 = arith.constant 1 : i32
      %select_n3A_336 = arith.select %eq3A_334, %jit3A_335, %jit3A_332 : i32
      %rem3A_337 = vector.broadcast %select_n3A_336 : i32 to vector<8x64xi32>
      %rem3A_338 = arith.remsi %iota3A_331, %rem3A_337 : vector<8x64xi32>
      %ne3A_339 = arith.constant 0 : i32
      %ne3A_340 = vector.broadcast %ne3A_339 : i32 to vector<8x64xi32>
      %ne3A_341 = arith.cmpi ne, %rem3A_338, %ne3A_340 : vector<8x64xi32>
      %lt3A_342 = arith.constant 0 : i32
      %lt3A_343 = vector.broadcast %lt3A_342 : i32 to vector<8x64xi32>
      %lt3A_344 = arith.cmpi slt, %rem3A_338, %lt3A_343 : vector<8x64xi32>
      %lt3A_345 = arith.constant 0 : i32
      %lt3A_346 = arith.cmpi slt, %select_n3A_336, %lt3A_345 : i32
      %ne3A_347 = vector.broadcast %lt3A_346 : i1 to vector<8x64xi1>
      %ne3A_348 = vector.broadcast %ne3A_347 : vector<8x64xi1> to vector<8x64xi1>
      %ne3A_349 = arith.xori %lt3A_344, %ne3A_348 : vector<8x64xi1>
      %and3A_350 = arith.andi %ne3A_349, %ne3A_341 : vector<8x64xi1>
      %add3A_351 = vector.broadcast %select_n3A_336 : i32 to vector<8x64xi32>
      %add3A_352 = arith.addi %rem3A_338, %add3A_351 : vector<8x64xi32>
      %select_n3A_353 = arith.select %and3A_350, %add3A_352, %rem3A_338 : vector<8x64xi1>, vector<8x64xi32>
      %lt3A_354 = arith.cmpi slt, %iota3A_330, %select_n3A_353 : vector<8x64xi32>
      %jit3A_355 = arith.constant 1.000000e+00 : f32
      %jit3A_356 = arith.constant 0.000000e+00 : f32
      %broadcast_in_dim3A_357 = vector.broadcast %jit3A_355 : f32 to vector<8x64xf32>
      %broadcast_in_dim3A_358 = vector.broadcast %jit3A_356 : f32 to vector<8x64xf32>
      %select_n3A_359 = arith.select %lt3A_354, %broadcast_in_dim3A_357, %broadcast_in_dim3A_358 : vector<8x64xi1>, vector<8x64xf32>
      %dot_general3A_360 = arith.constant dense<0.000000e+00> : vector<1x64xf32>
      %dot_general3A_361 = tpu.matmul %dot_general3A_329, %select_n3A_359, %dot_general3A_360 {dimension_numbers = #tpu.dot_dimension_numbers<[1], [0], [0], [1], [0, 0, 1, 1], [], []>, precision = #tpu.contract_precision<fp32>, transpose_lhs_hint = false} : vector<1x8xf32>, vector<8x64xf32>, vector<1x64xf32> -> vector<1x64xf32>
      %add3A_362 = vector.broadcast %dot_general3A_361 : vector<1x64xf32> to vector<512x64xf32>
      %add3A_363 = arith.addf %add3A_362, %add3A_297 : vector<512x64xf32>
      %sub3A_364 = arith.constant 1.000000e+00 : f32
      %sub3A_365 = vector.broadcast %sub3A_364 : f32 to vector<512x64xf32>
      %sub3A_366 = arith.subf %add3A_363, %sub3A_365 : vector<512x64xf32>
      %mul3A_367 = arith.mulf %concatenate3A, %sub3A_366 : vector<512x64xf32>
      %iota3A_368 = tpu.iota {dimensions = array<i32: 0>} : vector<64x128xi32>
      %iota3A_369 = tpu.iota {dimensions = array<i32: 1>} : vector<64x128xi32>
      %jit3A_370 = arith.constant 8 : i32
      %div3A_371 = vector.broadcast %jit3A_370 : i32 to vector<64x128xi32>
      %div3A_372 = arith.divsi %iota3A_368, %div3A_371 : vector<64x128xi32>
      %sign3A_373 = arith.constant 0 : i32
      %sign3A_374 = vector.broadcast %sign3A_373 : i32 to vector<64x128xi32>
      %sign3A_375 = arith.cmpi sgt, %iota3A_368, %sign3A_374 : vector<64x128xi32>
      %sign3A_376 = arith.extui %sign3A_375 : vector<64x128xi1> to vector<64x128xi32>
      %sign3A_377 = arith.constant 0 : i32
      %sign3A_378 = vector.broadcast %sign3A_377 : i32 to vector<64x128xi32>
      %sign3A_379 = arith.cmpi slt, %iota3A_368, %sign3A_378 : vector<64x128xi32>
      %sign3A_380 = arith.extui %sign3A_379 : vector<64x128xi1> to vector<64x128xi32>
      %sign3A_381 = arith.subi %sign3A_376, %sign3A_380 : vector<64x128xi32>
      %sign3A_382 = arith.constant 0 : i32
      %sign3A_383 = arith.cmpi sgt, %jit3A_370, %sign3A_382 : i32
      %sign3A_384 = arith.extui %sign3A_383 : i1 to i32
      %sign3A_385 = arith.constant 0 : i32
      %sign3A_386 = arith.cmpi slt, %jit3A_370, %sign3A_385 : i32
      %sign3A_387 = arith.extui %sign3A_386 : i1 to i32
      %sign3A_388 = arith.subi %sign3A_384, %sign3A_387 : i32
      %ne3A_389 = vector.broadcast %sign3A_388 : i32 to vector<64x128xi32>
      %ne3A_390 = arith.cmpi ne, %sign3A_381, %ne3A_389 : vector<64x128xi32>
      %rem3A_391 = vector.broadcast %jit3A_370 : i32 to vector<64x128xi32>
      %rem3A_392 = arith.remsi %iota3A_368, %rem3A_391 : vector<64x128xi32>
      %ne3A_393 = arith.constant 0 : i32
      %ne3A_394 = vector.broadcast %ne3A_393 : i32 to vector<64x128xi32>
      %ne3A_395 = arith.cmpi ne, %rem3A_392, %ne3A_394 : vector<64x128xi32>
      %and3A_396 = arith.andi %ne3A_390, %ne3A_395 : vector<64x128xi1>
      %sub3A_397 = arith.constant 1 : i32
      %sub3A_398 = vector.broadcast %sub3A_397 : i32 to vector<64x128xi32>
      %sub3A_399 = arith.subi %div3A_372, %sub3A_398 : vector<64x128xi32>
      %select_n3A_400 = arith.select %and3A_396, %sub3A_399, %div3A_372 : vector<64x128xi1>, vector<64x128xi32>
      %eq3A_401 = arith.cmpi eq, %select_n3A_400, %iota3A_369 : vector<64x128xi32>
      %jit3A_402 = arith.constant 1.000000e+00 : f32
      %jit3A_403 = arith.constant 0.000000e+00 : f32
      %broadcast_in_dim3A_404 = vector.broadcast %jit3A_402 : f32 to vector<64x128xf32>
      %broadcast_in_dim3A_405 = vector.broadcast %jit3A_403 : f32 to vector<64x128xf32>
      %select_n3A_406 = arith.select %eq3A_401, %broadcast_in_dim3A_404, %broadcast_in_dim3A_405 : vector<64x128xi1>, vector<64x128xf32>
      %dot_general3A_407 = arith.constant dense<0.000000e+00> : vector<512x128xf32>
      %dot_general3A_408 = tpu.matmul %mul3A_367, %select_n3A_406, %dot_general3A_407 {dimension_numbers = #tpu.dot_dimension_numbers<[1], [0], [0], [1], [0, 0, 1, 1], [], []>, precision = #tpu.contract_precision<fp32>, transpose_lhs_hint = false} : vector<512x64xf32>, vector<64x128xf32>, vector<512x128xf32> -> vector<512x128xf32>
      %convert_element_type3A_409 = arith.fptosi %dot_general3A_408 : vector<512x128xf32> to vector<512x128xi32>
      %swap3A_410 = arith.constant 0 : index
      %swap3A_411 = arith.constant 0 : index
      %swap3A_412 = vector.load %arg5[%swap3A_410, %swap3A_411] : memref<512x128xi32, #tpu.memory_space<vmem>>, vector<512x128xi32>
      tpu.vector_store %arg5[%swap3A_410, %swap3A_411], %convert_element_type3A_409 {strides = array<i32>} : memref<512x128xi32, #tpu.memory_space<vmem>>, vector<512x128xi32>,
      %iota3A_413 = tpu.iota {dimensions = array<i32: 0>} : vector<8x128xi32>
      %iota3A_414 = tpu.iota {dimensions = array<i32: 1>} : vector<8x128xi32>
      %lt3A_415 = arith.constant 8 : i32
      %lt3A_416 = vector.broadcast %lt3A_415 : i32 to vector<8x128xi32>
      %lt3A_417 = arith.cmpi slt, %iota3A_414, %lt3A_416 : vector<8x128xi32>
      %jit3A_418 = arith.constant 8 : i32
      %eq3A_419 = arith.constant 0 : i32
      %eq3A_420 = arith.cmpi eq, %jit3A_418, %eq3A_419 : i32
      %jit3A_421 = arith.constant 1 : i32
      %select_n3A_422 = arith.select %eq3A_420, %jit3A_421, %jit3A_418 : i32
      %rem3A_423 = vector.broadcast %select_n3A_422 : i32 to vector<8x128xi32>
      %rem3A_424 = arith.remsi %iota3A_414, %rem3A_423 : vector<8x128xi32>
      %ne3A_425 = arith.constant 0 : i32
      %ne3A_426 = vector.broadcast %ne3A_425 : i32 to vector<8x128xi32>
      %ne3A_427 = arith.cmpi ne, %rem3A_424, %ne3A_426 : vector<8x128xi32>
      %lt3A_428 = arith.constant 0 : i32
      %lt3A_429 = vector.broadcast %lt3A_428 : i32 to vector<8x128xi32>
      %lt3A_430 = arith.cmpi slt, %rem3A_424, %lt3A_429 : vector<8x128xi32>
      %lt3A_431 = arith.constant 0 : i32
      %lt3A_432 = arith.cmpi slt, %select_n3A_422, %lt3A_431 : i32
      %ne3A_433 = vector.broadcast %lt3A_432 : i1 to vector<8x128xi1>
      %ne3A_434 = vector.broadcast %ne3A_433 : vector<8x128xi1> to vector<8x128xi1>
      %ne3A_435 = arith.xori %lt3A_430, %ne3A_434 : vector<8x128xi1>
      %and3A_436 = arith.andi %ne3A_435, %ne3A_427 : vector<8x128xi1>
      %add3A_437 = vector.broadcast %select_n3A_422 : i32 to vector<8x128xi32>
      %add3A_438 = arith.addi %rem3A_424, %add3A_437 : vector<8x128xi32>
      %select_n3A_439 = arith.select %and3A_436, %add3A_438, %rem3A_424 : vector<8x128xi1>, vector<8x128xi32>
      %lt3A_440 = arith.cmpi slt, %iota3A_413, %select_n3A_439 : vector<8x128xi32>
      %and3A_441 = arith.andi %lt3A_417, %lt3A_440 : vector<8x128xi1>
      %jit3A_442 = arith.constant 1.000000e+00 : f32
      %jit3A_443 = arith.constant 0.000000e+00 : f32
      %broadcast_in_dim3A_444 = vector.broadcast %jit3A_442 : f32 to vector<8x128xf32>
      %broadcast_in_dim3A_445 = vector.broadcast %jit3A_443 : f32 to vector<8x128xf32>
      %select_n3A_446 = arith.select %and3A_441, %broadcast_in_dim3A_444, %broadcast_in_dim3A_445 : vector<8x128xi1>, vector<8x128xf32>
      %ge3A_447 = arith.constant 8 : i32
      %ge3A_448 = vector.broadcast %ge3A_447 : i32 to vector<8x128xi32>
      %ge3A_449 = arith.cmpi sge, %iota3A_414, %ge3A_448 : vector<8x128xi32>
      %lt3A_450 = arith.constant 16 : i32
      %lt3A_451 = vector.broadcast %lt3A_450 : i32 to vector<8x128xi32>
      %lt3A_452 = arith.cmpi slt, %iota3A_414, %lt3A_451 : vector<8x128xi32>
      %and3A_453 = arith.andi %ge3A_449, %lt3A_452 : vector<8x128xi1>
      %jit3A_454 = arith.constant 8 : i32
      %eq3A_455 = arith.constant 0 : i32
      %eq3A_456 = arith.cmpi eq, %jit3A_454, %eq3A_455 : i32
      %jit3A_457 = arith.constant 1 : i32
      %select_n3A_458 = arith.select %eq3A_456, %jit3A_457, %jit3A_454 : i32
      %rem3A_459 = vector.broadcast %select_n3A_458 : i32 to vector<8x128xi32>
      %rem3A_460 = arith.remsi %iota3A_414, %rem3A_459 : vector<8x128xi32>
      %ne3A_461 = arith.constant 0 : i32
      %ne3A_462 = vector.broadcast %ne3A_461 : i32 to vector<8x128xi32>
      %ne3A_463 = arith.cmpi ne, %rem3A_460, %ne3A_462 : vector<8x128xi32>
      %lt3A_464 = arith.constant 0 : i32
      %lt3A_465 = vector.broadcast %lt3A_464 : i32 to vector<8x128xi32>
      %lt3A_466 = arith.cmpi slt, %rem3A_460, %lt3A_465 : vector<8x128xi32>
      %lt3A_467 = arith.constant 0 : i32
      %lt3A_468 = arith.cmpi slt, %select_n3A_458, %lt3A_467 : i32
      %ne3A_469 = vector.broadcast %lt3A_468 : i1 to vector<8x128xi1>
      %ne3A_470 = vector.broadcast %ne3A_469 : vector<8x128xi1> to vector<8x128xi1>
      %ne3A_471 = arith.xori %lt3A_466, %ne3A_470 : vector<8x128xi1>
      %and3A_472 = arith.andi %ne3A_471, %ne3A_463 : vector<8x128xi1>
      %add3A_473 = vector.broadcast %select_n3A_458 : i32 to vector<8x128xi32>
      %add3A_474 = arith.addi %rem3A_460, %add3A_473 : vector<8x128xi32>
      %select_n3A_475 = arith.select %and3A_472, %add3A_474, %rem3A_460 : vector<8x128xi1>, vector<8x128xi32>
      %le3A = arith.cmpi sle, %iota3A_413, %select_n3A_475 : vector<8x128xi32>
      %and3A_476 = arith.andi %and3A_453, %le3A : vector<8x128xi1>
      %jit3A_477 = arith.constant 1.000000e+00 : f32
      %jit3A_478 = arith.constant 0.000000e+00 : f32
      %broadcast_in_dim3A_479 = vector.broadcast %jit3A_477 : f32 to vector<8x128xf32>
      %broadcast_in_dim3A_480 = vector.broadcast %jit3A_478 : f32 to vector<8x128xf32>
      %select_n3A_481 = arith.select %and3A_476, %broadcast_in_dim3A_479, %broadcast_in_dim3A_480 : vector<8x128xi1>, vector<8x128xf32>
      %add3A_482 = arith.addf %select_n3A_446, %select_n3A_481 : vector<8x128xf32>
      %dot_general3A_483 = arith.constant dense<0.000000e+00> : vector<1x128xf32>
      %dot_general3A_484 = tpu.matmul %dot_general3A_329, %add3A_482, %dot_general3A_483 {dimension_numbers = #tpu.dot_dimension_numbers<[1], [0], [0], [1], [0, 0, 1, 1], [], []>, precision = #tpu.contract_precision<fp32>, transpose_lhs_hint = false} : vector<1x8xf32>, vector<8x128xf32>, vector<1x128xf32> -> vector<1x128xf32>
      %convert_element_type3A_485 = arith.fptosi %dot_general3A_484 : vector<1x128xf32> to vector<1x128xi32>
      %swap3A_486 = arith.constant 0 : index
      %swap3A_487 = arith.constant 0 : index
      %swap3A_488 = vector.load %arg6[%swap3A_486, %swap3A_487] : memref<1x128xi32, #tpu.memory_space<vmem>>, vector<1x128xi32>
      tpu.vector_store %arg6[%swap3A_486, %swap3A_487], %convert_element_type3A_485 {strides = array<i32>} : memref<1x128xi32, #tpu.memory_space<vmem>>, vector<1x128xi32>,
    } else {
    }
    return
  }
  func.func @transform_0(%arg0: i32) -> (i32, i32) {
    %c0_i32 = arith.constant 0 : i32
    %c0_i32_0 = arith.constant 0 : i32
    return %arg0, %c0_i32 : i32, i32
  }
  func.func @transform_1(%arg0: i32) -> (i32, i32) {
    %c0_i32 = arith.constant 0 : i32
    %c0_i32_0 = arith.constant 0 : i32
    %c0_i32_1 = arith.constant 0 : i32
    return %c0_i32, %c0_i32_0 : i32, i32
  }
  func.func @transform_2(%arg0: i32) -> (i32, i32) {
    %c0_i32 = arith.constant 0 : i32
    %c0_i32_0 = arith.constant 0 : i32
    %c0_i32_1 = arith.constant 0 : i32
    return %c0_i32, %c0_i32_0 : i32, i32
  }
  func.func @transform_3(%arg0: i32) -> (i32, i32) {
    %c0_i32 = arith.constant 0 : i32
    %c0_i32_0 = arith.constant 0 : i32
    return %arg0, %c0_i32 : i32, i32
  }
  func.func @transform_4(%arg0: i32) -> (i32, i32) {
    %c0_i32 = arith.constant 0 : i32
    %c0_i32_0 = arith.constant 0 : i32
    %c0_i32_1 = arith.constant 0 : i32
    return %c0_i32, %c0_i32_0 : i32, i32
  }
  func.func @transform_5(%arg0: i32) -> (i32, i32) {
    %c0_i32 = arith.constant 0 : i32
    %c0_i32_0 = arith.constant 0 : i32
    %c0_i32_1 = arith.constant 0 : i32
    return %c0_i32, %c0_i32_0 : i32, i32
  }
}

module attributes {stable_mosaic.version = 14 : i64} {
  func.func @_group_body(%arg0: i32, %arg1: memref<16xi32, #tpu.memory_space<smem>>, %arg2: memref<512x128xf32, #tpu.memory_space<vmem>>, %arg3: memref<8x128x1024xf32, #tpu.memory_space<vmem>>, %arg4: memref<1x1024xf32, #tpu.memory_space<vmem>>, %arg5: memref<512x1024xf32, #tpu.memory_space<vmem>>) attributes {dimension_semantics = [#tpu.dimension_semantics<arbitrary>], iteration_bounds = array<i64: 8>, scalar_prefetch = 1 : i64, scratch_operands = 0 : i64, tpu.core_type = #tpu.core_type<tc>, window_params = [{transform_indices = @transform_0, window_bounds = array<i64: 512, 128>}, {pipeline_mode = #tpu.pipeline_mode<synchronous>, transform_indices = @transform_1, window_bounds = array<i64: 8, 128, 1024>}, {pipeline_mode = #tpu.pipeline_mode<synchronous>, transform_indices = @transform_2, window_bounds = array<i64: 1, 1024>}, {transform_indices = @transform_3, window_bounds = array<i64: 512, 1024>}]} {
    %mul3A = arith.constant 512 : i32
    %mul3A_0 = arith.muli %arg0, %mul3A : i32
    %get3A = arith.constant 0 : index
    %get3A_1 = arith.constant 0 : index
    %get3A_2 = vector.load %arg2[%get3A, %get3A_1] : memref<512x128xf32, #tpu.memory_space<vmem>>, vector<512x128xf32>
    %iota3A = tpu.iota {dimensions = array<i32: 0>} : vector<512x1xi32>
    %add3A = vector.broadcast %mul3A_0 : i32 to vector<512x1xi32>
    %add3A_3 = arith.addi %add3A, %iota3A : vector<512x1xi32>
    %get3A_4 = arith.constant 1 : index
    %get3A_5 = memref.load %arg1[%get3A_4] : memref<16xi32, #tpu.memory_space<smem>>
    %le3A = arith.cmpi sle, %get3A_5, %mul3A_0 : i32
    %jit3A = arith.constant 1 : i32
    %jit3A_6 = arith.constant 0 : i32
    %select_n3A = arith.select %le3A, %jit3A, %jit3A_6 : i32
    %get3A_7 = arith.constant 1 : index
    %get3A_8 = memref.load %arg1[%get3A_7] : memref<16xi32, #tpu.memory_space<smem>>
    %add3A_9 = arith.constant 512 : i32
    %add3A_10 = arith.addi %mul3A_0, %add3A_9 : i32
    %sub3A = arith.constant 1 : i32
    %sub3A_11 = arith.subi %add3A_10, %sub3A : i32
    %le3A_12 = arith.cmpi sle, %get3A_8, %sub3A_11 : i32
    %jit3A_13 = arith.constant 1 : i32
    %jit3A_14 = arith.constant 0 : i32
    %select_n3A_15 = arith.select %le3A_12, %jit3A_13, %jit3A_14 : i32
    %get3A_16 = arith.constant 2 : index
    %get3A_17 = memref.load %arg1[%get3A_16] : memref<16xi32, #tpu.memory_space<smem>>
    %le3A_18 = arith.cmpi sle, %get3A_17, %mul3A_0 : i32
    %jit3A_19 = arith.constant 2 : i32
    %select_n3A_20 = arith.select %le3A_18, %jit3A_19, %select_n3A : i32
    %get3A_21 = arith.constant 2 : index
    %get3A_22 = memref.load %arg1[%get3A_21] : memref<16xi32, #tpu.memory_space<smem>>
    %add3A_23 = arith.constant 512 : i32
    %add3A_24 = arith.addi %mul3A_0, %add3A_23 : i32
    %sub3A_25 = arith.constant 1 : i32
    %sub3A_26 = arith.subi %add3A_24, %sub3A_25 : i32
    %le3A_27 = arith.cmpi sle, %get3A_22, %sub3A_26 : i32
    %jit3A_28 = arith.constant 2 : i32
    %select_n3A_29 = arith.select %le3A_27, %jit3A_28, %select_n3A_15 : i32
    %get3A_30 = arith.constant 3 : index
    %get3A_31 = memref.load %arg1[%get3A_30] : memref<16xi32, #tpu.memory_space<smem>>
    %le3A_32 = arith.cmpi sle, %get3A_31, %mul3A_0 : i32
    %jit3A_33 = arith.constant 3 : i32
    %select_n3A_34 = arith.select %le3A_32, %jit3A_33, %select_n3A_20 : i32
    %get3A_35 = arith.constant 3 : index
    %get3A_36 = memref.load %arg1[%get3A_35] : memref<16xi32, #tpu.memory_space<smem>>
    %add3A_37 = arith.constant 512 : i32
    %add3A_38 = arith.addi %mul3A_0, %add3A_37 : i32
    %sub3A_39 = arith.constant 1 : i32
    %sub3A_40 = arith.subi %add3A_38, %sub3A_39 : i32
    %le3A_41 = arith.cmpi sle, %get3A_36, %sub3A_40 : i32
    %jit3A_42 = arith.constant 3 : i32
    %select_n3A_43 = arith.select %le3A_41, %jit3A_42, %select_n3A_29 : i32
    %get3A_44 = arith.constant 4 : index
    %get3A_45 = memref.load %arg1[%get3A_44] : memref<16xi32, #tpu.memory_space<smem>>
    %le3A_46 = arith.cmpi sle, %get3A_45, %mul3A_0 : i32
    %jit3A_47 = arith.constant 4 : i32
    %select_n3A_48 = arith.select %le3A_46, %jit3A_47, %select_n3A_34 : i32
    %get3A_49 = arith.constant 4 : index
    %get3A_50 = memref.load %arg1[%get3A_49] : memref<16xi32, #tpu.memory_space<smem>>
    %add3A_51 = arith.constant 512 : i32
    %add3A_52 = arith.addi %mul3A_0, %add3A_51 : i32
    %sub3A_53 = arith.constant 1 : i32
    %sub3A_54 = arith.subi %add3A_52, %sub3A_53 : i32
    %le3A_55 = arith.cmpi sle, %get3A_50, %sub3A_54 : i32
    %jit3A_56 = arith.constant 4 : i32
    %select_n3A_57 = arith.select %le3A_55, %jit3A_56, %select_n3A_43 : i32
    %get3A_58 = arith.constant 5 : index
    %get3A_59 = memref.load %arg1[%get3A_58] : memref<16xi32, #tpu.memory_space<smem>>
    %le3A_60 = arith.cmpi sle, %get3A_59, %mul3A_0 : i32
    %jit3A_61 = arith.constant 5 : i32
    %select_n3A_62 = arith.select %le3A_60, %jit3A_61, %select_n3A_48 : i32
    %get3A_63 = arith.constant 5 : index
    %get3A_64 = memref.load %arg1[%get3A_63] : memref<16xi32, #tpu.memory_space<smem>>
    %add3A_65 = arith.constant 512 : i32
    %add3A_66 = arith.addi %mul3A_0, %add3A_65 : i32
    %sub3A_67 = arith.constant 1 : i32
    %sub3A_68 = arith.subi %add3A_66, %sub3A_67 : i32
    %le3A_69 = arith.cmpi sle, %get3A_64, %sub3A_68 : i32
    %jit3A_70 = arith.constant 5 : i32
    %select_n3A_71 = arith.select %le3A_69, %jit3A_70, %select_n3A_57 : i32
    %get3A_72 = arith.constant 6 : index
    %get3A_73 = memref.load %arg1[%get3A_72] : memref<16xi32, #tpu.memory_space<smem>>
    %le3A_74 = arith.cmpi sle, %get3A_73, %mul3A_0 : i32
    %jit3A_75 = arith.constant 6 : i32
    %select_n3A_76 = arith.select %le3A_74, %jit3A_75, %select_n3A_62 : i32
    %get3A_77 = arith.constant 6 : index
    %get3A_78 = memref.load %arg1[%get3A_77] : memref<16xi32, #tpu.memory_space<smem>>
    %add3A_79 = arith.constant 512 : i32
    %add3A_80 = arith.addi %mul3A_0, %add3A_79 : i32
    %sub3A_81 = arith.constant 1 : i32
    %sub3A_82 = arith.subi %add3A_80, %sub3A_81 : i32
    %le3A_83 = arith.cmpi sle, %get3A_78, %sub3A_82 : i32
    %jit3A_84 = arith.constant 6 : i32
    %select_n3A_85 = arith.select %le3A_83, %jit3A_84, %select_n3A_71 : i32
    %get3A_86 = arith.constant 7 : index
    %get3A_87 = memref.load %arg1[%get3A_86] : memref<16xi32, #tpu.memory_space<smem>>
    %le3A_88 = arith.cmpi sle, %get3A_87, %mul3A_0 : i32
    %jit3A_89 = arith.constant 7 : i32
    %select_n3A_90 = arith.select %le3A_88, %jit3A_89, %select_n3A_76 : i32
    %get3A_91 = arith.constant 7 : index
    %get3A_92 = memref.load %arg1[%get3A_91] : memref<16xi32, #tpu.memory_space<smem>>
    %add3A_93 = arith.constant 512 : i32
    %add3A_94 = arith.addi %mul3A_0, %add3A_93 : i32
    %sub3A_95 = arith.constant 1 : i32
    %sub3A_96 = arith.subi %add3A_94, %sub3A_95 : i32
    %le3A_97 = arith.cmpi sle, %get3A_92, %sub3A_96 : i32
    %jit3A_98 = arith.constant 7 : i32
    %select_n3A_99 = arith.select %le3A_97, %jit3A_98, %select_n3A_85 : i32
    %get3A_100 = arith.index_cast %select_n3A_90 : i32 to index
    %get3A_101 = memref.load %arg1[%get3A_100] : memref<16xi32, #tpu.memory_space<smem>>
    %add3A_102 = arith.constant 8 : i32
    %add3A_103 = arith.addi %add3A_102, %select_n3A_90 : i32
    %get3A_104 = arith.index_cast %add3A_103 : i32 to index
    %get3A_105 = memref.load %arg1[%get3A_104] : memref<16xi32, #tpu.memory_space<smem>>
    %ge3A = vector.broadcast %get3A_101 : i32 to vector<512x1xi32>
    %ge3A_106 = arith.cmpi sge, %add3A_3, %ge3A : vector<512x1xi32>
    %lt3A = vector.broadcast %get3A_105 : i32 to vector<512x1xi32>
    %lt3A_107 = arith.cmpi slt, %add3A_3, %lt3A : vector<512x1xi32>
    %and3A = arith.andi %ge3A_106, %lt3A_107 : vector<512x1xi1>
    %convert_element_type3A = arith.extui %and3A : vector<512x1xi1> to vector<512x1xi32>
    %convert_element_type3A_108 = arith.sitofp %convert_element_type3A : vector<512x1xi32> to vector<512x1xf32>
    %add3A_109 = arith.constant 1 : i32
    %add3A_110 = arith.addi %select_n3A_90, %add3A_109 : i32
    %min3A = arith.constant 7 : i32
    %min3A_111 = arith.minsi %add3A_110, %min3A : i32
    %get3A_112 = arith.index_cast %min3A_111 : i32 to index
    %get3A_113 = memref.load %arg1[%get3A_112] : memref<16xi32, #tpu.memory_space<smem>>
    %add3A_114 = arith.constant 8 : i32
    %add3A_115 = arith.addi %add3A_114, %min3A_111 : i32
    %get3A_116 = arith.index_cast %add3A_115 : i32 to index
    %get3A_117 = memref.load %arg1[%get3A_116] : memref<16xi32, #tpu.memory_space<smem>>
    %ge3A_118 = vector.broadcast %get3A_113 : i32 to vector<512x1xi32>
    %ge3A_119 = arith.cmpi sge, %add3A_3, %ge3A_118 : vector<512x1xi32>
    %lt3A_120 = vector.broadcast %get3A_117 : i32 to vector<512x1xi32>
    %lt3A_121 = arith.cmpi slt, %add3A_3, %lt3A_120 : vector<512x1xi32>
    %and3A_122 = arith.andi %ge3A_119, %lt3A_121 : vector<512x1xi1>
    %gt3A = arith.cmpi sgt, %min3A_111, %select_n3A_90 : i32
    %and3A_123 = vector.broadcast %gt3A : i1 to vector<512x1xi1>
    %and3A_124 = arith.andi %and3A_122, %and3A_123 : vector<512x1xi1>
    %convert_element_type3A_125 = arith.extui %and3A_124 : vector<512x1xi1> to vector<512x1xi32>
    %convert_element_type3A_126 = arith.sitofp %convert_element_type3A_125 : vector<512x1xi32> to vector<512x1xf32>
    %get3A_127 = arith.constant 0 : index
    %get3A_128 = arith.constant 0 : index
    %get3A_129 = vector.load %arg4[%get3A_127, %get3A_128] : memref<1x1024xf32, #tpu.memory_space<vmem>>, vector<1x1024xf32>
    %broadcast_in_dim3A = vector.shape_cast %get3A_129 : vector<1x1024xf32> to vector<1x1024xf32>
    %broadcast_in_dim3A_130 = vector.broadcast %broadcast_in_dim3A : vector<1x1024xf32> to vector<512x1024xf32>
    %mul3A_131 = vector.broadcast %convert_element_type3A_108 : vector<512x1xf32> to vector<512x128xf32>
    %mul3A_132 = arith.mulf %get3A_2, %mul3A_131 : vector<512x128xf32>
    %get3A_133 = arith.index_cast %select_n3A_90 : i32 to index
    %get3A_134 = arith.constant 0 : index
    %get3A_135 = arith.constant 0 : index
    %get3A_136 = vector.load %arg3[%get3A_133, %get3A_134, %get3A_135] : memref<8x128x1024xf32, #tpu.memory_space<vmem>>, vector<1x128x1024xf32>
    %get3A_137 = vector.shape_cast %get3A_136 : vector<1x128x1024xf32> to vector<128x1024xf32>
    %dot_general3A = arith.constant dense<0.000000e+00> : vector<512x1024xf32>
    %dot_general3A_138 = tpu.matmul %mul3A_132, %get3A_137, %dot_general3A {dimension_numbers = #tpu.dot_dimension_numbers<[1], [0], [0], [1], [0, 0, 1, 1], [], []>, transpose_lhs_hint = false} : vector<512x128xf32>, vector<128x1024xf32>, vector<512x1024xf32> -> vector<512x1024xf32>
    %add3A_139 = arith.addf %broadcast_in_dim3A_130, %dot_general3A_138 : vector<512x1024xf32>
    %mul3A_140 = vector.broadcast %convert_element_type3A_126 : vector<512x1xf32> to vector<512x128xf32>
    %mul3A_141 = arith.mulf %get3A_2, %mul3A_140 : vector<512x128xf32>
    %get3A_142 = arith.index_cast %min3A_111 : i32 to index
    %get3A_143 = arith.constant 0 : index
    %get3A_144 = arith.constant 0 : index
    %get3A_145 = vector.load %arg3[%get3A_142, %get3A_143, %get3A_144] : memref<8x128x1024xf32, #tpu.memory_space<vmem>>, vector<1x128x1024xf32>
    %get3A_146 = vector.shape_cast %get3A_145 : vector<1x128x1024xf32> to vector<128x1024xf32>
    %dot_general3A_147 = arith.constant dense<0.000000e+00> : vector<512x1024xf32>
    %dot_general3A_148 = tpu.matmul %mul3A_141, %get3A_146, %dot_general3A_147 {dimension_numbers = #tpu.dot_dimension_numbers<[1], [0], [0], [1], [0, 0, 1, 1], [], []>, transpose_lhs_hint = false} : vector<512x128xf32>, vector<128x1024xf32>, vector<512x1024xf32> -> vector<512x1024xf32>
    %add3A_149 = arith.addf %add3A_139, %dot_general3A_148 : vector<512x1024xf32>
    %swap3A = arith.constant 0 : index
    %swap3A_150 = arith.constant 0 : index
    %swap3A_151 = vector.load %arg5[%swap3A, %swap3A_150] : memref<512x1024xf32, #tpu.memory_space<vmem>>, vector<512x1024xf32>
    tpu.vector_store %arg5[%swap3A, %swap3A_150], %add3A_149 {strides = array<i32>} : memref<512x1024xf32, #tpu.memory_space<vmem>>, vector<512x1024xf32>,
    %add3A_152 = arith.constant 2 : i32
    %add3A_153 = arith.addi %select_n3A_90, %add3A_152 : i32
    %le3A_154 = arith.cmpi sle, %add3A_153, %select_n3A_99 : i32
    %convert_element_type3A_155 = arith.extui %le3A_154 : i1 to i32
    %cond3A = arith.constant 0 : i32
    %cond3A_156 = arith.cmpi ne, %convert_element_type3A_155, %cond3A : i32
    scf.if %cond3A_156 {
      %add3A_187 = arith.constant 2 : i32
      %add3A_188 = arith.addi %select_n3A_90, %add3A_187 : i32
      %min3A_189 = arith.constant 7 : i32
      %min3A_190 = arith.minsi %add3A_188, %min3A_189 : i32
      %get3A_191 = arith.index_cast %min3A_190 : i32 to index
      %get3A_192 = memref.load %arg1[%get3A_191] : memref<16xi32, #tpu.memory_space<smem>>
      %add3A_193 = arith.constant 8 : i32
      %add3A_194 = arith.addi %add3A_193, %min3A_190 : i32
      %get3A_195 = arith.index_cast %add3A_194 : i32 to index
      %get3A_196 = memref.load %arg1[%get3A_195] : memref<16xi32, #tpu.memory_space<smem>>
      %ge3A_197 = vector.broadcast %get3A_192 : i32 to vector<512x1xi32>
      %ge3A_198 = arith.cmpi sge, %add3A_3, %ge3A_197 : vector<512x1xi32>
      %lt3A_199 = vector.broadcast %get3A_196 : i32 to vector<512x1xi32>
      %lt3A_200 = arith.cmpi slt, %add3A_3, %lt3A_199 : vector<512x1xi32>
      %and3A_201 = arith.andi %ge3A_198, %lt3A_200 : vector<512x1xi1>
      %convert_element_type3A_202 = arith.extui %and3A_201 : vector<512x1xi1> to vector<512x1xi32>
      %convert_element_type3A_203 = arith.sitofp %convert_element_type3A_202 : vector<512x1xi32> to vector<512x1xf32>
      %get3A_204 = arith.constant 0 : index
      %get3A_205 = arith.constant 0 : index
      %get3A_206 = vector.load %arg5[%get3A_204, %get3A_205] : memref<512x1024xf32, #tpu.memory_space<vmem>>, vector<512x1024xf32>
      %mul3A_207 = vector.broadcast %convert_element_type3A_203 : vector<512x1xf32> to vector<512x128xf32>
      %mul3A_208 = arith.mulf %get3A_2, %mul3A_207 : vector<512x128xf32>
      %get3A_209 = arith.index_cast %min3A_190 : i32 to index
      %get3A_210 = arith.constant 0 : index
      %get3A_211 = arith.constant 0 : index
      %get3A_212 = vector.load %arg3[%get3A_209, %get3A_210, %get3A_211] : memref<8x128x1024xf32, #tpu.memory_space<vmem>>, vector<1x128x1024xf32>
      %get3A_213 = vector.shape_cast %get3A_212 : vector<1x128x1024xf32> to vector<128x1024xf32>
      %dot_general3A_214 = arith.constant dense<0.000000e+00> : vector<512x1024xf32>
      %dot_general3A_215 = tpu.matmul %mul3A_208, %get3A_213, %dot_general3A_214 {dimension_numbers = #tpu.dot_dimension_numbers<[1], [0], [0], [1], [0, 0, 1, 1], [], []>, transpose_lhs_hint = false} : vector<512x128xf32>, vector<128x1024xf32>, vector<512x1024xf32> -> vector<512x1024xf32>
      %add3A_216 = arith.addf %get3A_206, %dot_general3A_215 : vector<512x1024xf32>
      %swap3A_217 = arith.constant 0 : index
      %swap3A_218 = arith.constant 0 : index
      %swap3A_219 = vector.load %arg5[%swap3A_217, %swap3A_218] : memref<512x1024xf32, #tpu.memory_space<vmem>>, vector<512x1024xf32>
      tpu.vector_store %arg5[%swap3A_217, %swap3A_218], %add3A_216 {strides = array<i32>} : memref<512x1024xf32, #tpu.memory_space<vmem>>, vector<512x1024xf32>,
    } else {
    }
    %add3A_157 = arith.constant 3 : i32
    %add3A_158 = arith.addi %select_n3A_90, %add3A_157 : i32
    %le3A_159 = arith.cmpi sle, %add3A_158, %select_n3A_99 : i32
    %convert_element_type3A_160 = arith.extui %le3A_159 : i1 to i32
    %cond3A_161 = arith.constant 0 : i32
    %cond3A_162 = arith.cmpi ne, %convert_element_type3A_160, %cond3A_161 : i32
    scf.if %cond3A_162 {
      %add3A_187 = arith.constant 3 : i32
      %add3A_188 = arith.addi %select_n3A_90, %add3A_187 : i32
      %min3A_189 = arith.constant 7 : i32
      %min3A_190 = arith.minsi %add3A_188, %min3A_189 : i32
      %get3A_191 = arith.index_cast %min3A_190 : i32 to index
      %get3A_192 = memref.load %arg1[%get3A_191] : memref<16xi32, #tpu.memory_space<smem>>
      %add3A_193 = arith.constant 8 : i32
      %add3A_194 = arith.addi %add3A_193, %min3A_190 : i32
      %get3A_195 = arith.index_cast %add3A_194 : i32 to index
      %get3A_196 = memref.load %arg1[%get3A_195] : memref<16xi32, #tpu.memory_space<smem>>
      %ge3A_197 = vector.broadcast %get3A_192 : i32 to vector<512x1xi32>
      %ge3A_198 = arith.cmpi sge, %add3A_3, %ge3A_197 : vector<512x1xi32>
      %lt3A_199 = vector.broadcast %get3A_196 : i32 to vector<512x1xi32>
      %lt3A_200 = arith.cmpi slt, %add3A_3, %lt3A_199 : vector<512x1xi32>
      %and3A_201 = arith.andi %ge3A_198, %lt3A_200 : vector<512x1xi1>
      %convert_element_type3A_202 = arith.extui %and3A_201 : vector<512x1xi1> to vector<512x1xi32>
      %convert_element_type3A_203 = arith.sitofp %convert_element_type3A_202 : vector<512x1xi32> to vector<512x1xf32>
      %get3A_204 = arith.constant 0 : index
      %get3A_205 = arith.constant 0 : index
      %get3A_206 = vector.load %arg5[%get3A_204, %get3A_205] : memref<512x1024xf32, #tpu.memory_space<vmem>>, vector<512x1024xf32>
      %mul3A_207 = vector.broadcast %convert_element_type3A_203 : vector<512x1xf32> to vector<512x128xf32>
      %mul3A_208 = arith.mulf %get3A_2, %mul3A_207 : vector<512x128xf32>
      %get3A_209 = arith.index_cast %min3A_190 : i32 to index
      %get3A_210 = arith.constant 0 : index
      %get3A_211 = arith.constant 0 : index
      %get3A_212 = vector.load %arg3[%get3A_209, %get3A_210, %get3A_211] : memref<8x128x1024xf32, #tpu.memory_space<vmem>>, vector<1x128x1024xf32>
      %get3A_213 = vector.shape_cast %get3A_212 : vector<1x128x1024xf32> to vector<128x1024xf32>
      %dot_general3A_214 = arith.constant dense<0.000000e+00> : vector<512x1024xf32>
      %dot_general3A_215 = tpu.matmul %mul3A_208, %get3A_213, %dot_general3A_214 {dimension_numbers = #tpu.dot_dimension_numbers<[1], [0], [0], [1], [0, 0, 1, 1], [], []>, transpose_lhs_hint = false} : vector<512x128xf32>, vector<128x1024xf32>, vector<512x1024xf32> -> vector<512x1024xf32>
      %add3A_216 = arith.addf %get3A_206, %dot_general3A_215 : vector<512x1024xf32>
      %swap3A_217 = arith.constant 0 : index
      %swap3A_218 = arith.constant 0 : index
      %swap3A_219 = vector.load %arg5[%swap3A_217, %swap3A_218] : memref<512x1024xf32, #tpu.memory_space<vmem>>, vector<512x1024xf32>
      tpu.vector_store %arg5[%swap3A_217, %swap3A_218], %add3A_216 {strides = array<i32>} : memref<512x1024xf32, #tpu.memory_space<vmem>>, vector<512x1024xf32>,
    } else {
    }
    %add3A_163 = arith.constant 4 : i32
    %add3A_164 = arith.addi %select_n3A_90, %add3A_163 : i32
    %le3A_165 = arith.cmpi sle, %add3A_164, %select_n3A_99 : i32
    %convert_element_type3A_166 = arith.extui %le3A_165 : i1 to i32
    %cond3A_167 = arith.constant 0 : i32
    %cond3A_168 = arith.cmpi ne, %convert_element_type3A_166, %cond3A_167 : i32
    scf.if %cond3A_168 {
      %add3A_187 = arith.constant 4 : i32
      %add3A_188 = arith.addi %select_n3A_90, %add3A_187 : i32
      %min3A_189 = arith.constant 7 : i32
      %min3A_190 = arith.minsi %add3A_188, %min3A_189 : i32
      %get3A_191 = arith.index_cast %min3A_190 : i32 to index
      %get3A_192 = memref.load %arg1[%get3A_191] : memref<16xi32, #tpu.memory_space<smem>>
      %add3A_193 = arith.constant 8 : i32
      %add3A_194 = arith.addi %add3A_193, %min3A_190 : i32
      %get3A_195 = arith.index_cast %add3A_194 : i32 to index
      %get3A_196 = memref.load %arg1[%get3A_195] : memref<16xi32, #tpu.memory_space<smem>>
      %ge3A_197 = vector.broadcast %get3A_192 : i32 to vector<512x1xi32>
      %ge3A_198 = arith.cmpi sge, %add3A_3, %ge3A_197 : vector<512x1xi32>
      %lt3A_199 = vector.broadcast %get3A_196 : i32 to vector<512x1xi32>
      %lt3A_200 = arith.cmpi slt, %add3A_3, %lt3A_199 : vector<512x1xi32>
      %and3A_201 = arith.andi %ge3A_198, %lt3A_200 : vector<512x1xi1>
      %convert_element_type3A_202 = arith.extui %and3A_201 : vector<512x1xi1> to vector<512x1xi32>
      %convert_element_type3A_203 = arith.sitofp %convert_element_type3A_202 : vector<512x1xi32> to vector<512x1xf32>
      %get3A_204 = arith.constant 0 : index
      %get3A_205 = arith.constant 0 : index
      %get3A_206 = vector.load %arg5[%get3A_204, %get3A_205] : memref<512x1024xf32, #tpu.memory_space<vmem>>, vector<512x1024xf32>
      %mul3A_207 = vector.broadcast %convert_element_type3A_203 : vector<512x1xf32> to vector<512x128xf32>
      %mul3A_208 = arith.mulf %get3A_2, %mul3A_207 : vector<512x128xf32>
      %get3A_209 = arith.index_cast %min3A_190 : i32 to index
      %get3A_210 = arith.constant 0 : index
      %get3A_211 = arith.constant 0 : index
      %get3A_212 = vector.load %arg3[%get3A_209, %get3A_210, %get3A_211] : memref<8x128x1024xf32, #tpu.memory_space<vmem>>, vector<1x128x1024xf32>
      %get3A_213 = vector.shape_cast %get3A_212 : vector<1x128x1024xf32> to vector<128x1024xf32>
      %dot_general3A_214 = arith.constant dense<0.000000e+00> : vector<512x1024xf32>
      %dot_general3A_215 = tpu.matmul %mul3A_208, %get3A_213, %dot_general3A_214 {dimension_numbers = #tpu.dot_dimension_numbers<[1], [0], [0], [1], [0, 0, 1, 1], [], []>, transpose_lhs_hint = false} : vector<512x128xf32>, vector<128x1024xf32>, vector<512x1024xf32> -> vector<512x1024xf32>
      %add3A_216 = arith.addf %get3A_206, %dot_general3A_215 : vector<512x1024xf32>
      %swap3A_217 = arith.constant 0 : index
      %swap3A_218 = arith.constant 0 : index
      %swap3A_219 = vector.load %arg5[%swap3A_217, %swap3A_218] : memref<512x1024xf32, #tpu.memory_space<vmem>>, vector<512x1024xf32>
      tpu.vector_store %arg5[%swap3A_217, %swap3A_218], %add3A_216 {strides = array<i32>} : memref<512x1024xf32, #tpu.memory_space<vmem>>, vector<512x1024xf32>,
    } else {
    }
    %add3A_169 = arith.constant 5 : i32
    %add3A_170 = arith.addi %select_n3A_90, %add3A_169 : i32
    %le3A_171 = arith.cmpi sle, %add3A_170, %select_n3A_99 : i32
    %convert_element_type3A_172 = arith.extui %le3A_171 : i1 to i32
    %cond3A_173 = arith.constant 0 : i32
    %cond3A_174 = arith.cmpi ne, %convert_element_type3A_172, %cond3A_173 : i32
    scf.if %cond3A_174 {
      %add3A_187 = arith.constant 5 : i32
      %add3A_188 = arith.addi %select_n3A_90, %add3A_187 : i32
      %min3A_189 = arith.constant 7 : i32
      %min3A_190 = arith.minsi %add3A_188, %min3A_189 : i32
      %get3A_191 = arith.index_cast %min3A_190 : i32 to index
      %get3A_192 = memref.load %arg1[%get3A_191] : memref<16xi32, #tpu.memory_space<smem>>
      %add3A_193 = arith.constant 8 : i32
      %add3A_194 = arith.addi %add3A_193, %min3A_190 : i32
      %get3A_195 = arith.index_cast %add3A_194 : i32 to index
      %get3A_196 = memref.load %arg1[%get3A_195] : memref<16xi32, #tpu.memory_space<smem>>
      %ge3A_197 = vector.broadcast %get3A_192 : i32 to vector<512x1xi32>
      %ge3A_198 = arith.cmpi sge, %add3A_3, %ge3A_197 : vector<512x1xi32>
      %lt3A_199 = vector.broadcast %get3A_196 : i32 to vector<512x1xi32>
      %lt3A_200 = arith.cmpi slt, %add3A_3, %lt3A_199 : vector<512x1xi32>
      %and3A_201 = arith.andi %ge3A_198, %lt3A_200 : vector<512x1xi1>
      %convert_element_type3A_202 = arith.extui %and3A_201 : vector<512x1xi1> to vector<512x1xi32>
      %convert_element_type3A_203 = arith.sitofp %convert_element_type3A_202 : vector<512x1xi32> to vector<512x1xf32>
      %get3A_204 = arith.constant 0 : index
      %get3A_205 = arith.constant 0 : index
      %get3A_206 = vector.load %arg5[%get3A_204, %get3A_205] : memref<512x1024xf32, #tpu.memory_space<vmem>>, vector<512x1024xf32>
      %mul3A_207 = vector.broadcast %convert_element_type3A_203 : vector<512x1xf32> to vector<512x128xf32>
      %mul3A_208 = arith.mulf %get3A_2, %mul3A_207 : vector<512x128xf32>
      %get3A_209 = arith.index_cast %min3A_190 : i32 to index
      %get3A_210 = arith.constant 0 : index
      %get3A_211 = arith.constant 0 : index
      %get3A_212 = vector.load %arg3[%get3A_209, %get3A_210, %get3A_211] : memref<8x128x1024xf32, #tpu.memory_space<vmem>>, vector<1x128x1024xf32>
      %get3A_213 = vector.shape_cast %get3A_212 : vector<1x128x1024xf32> to vector<128x1024xf32>
      %dot_general3A_214 = arith.constant dense<0.000000e+00> : vector<512x1024xf32>
      %dot_general3A_215 = tpu.matmul %mul3A_208, %get3A_213, %dot_general3A_214 {dimension_numbers = #tpu.dot_dimension_numbers<[1], [0], [0], [1], [0, 0, 1, 1], [], []>, transpose_lhs_hint = false} : vector<512x128xf32>, vector<128x1024xf32>, vector<512x1024xf32> -> vector<512x1024xf32>
      %add3A_216 = arith.addf %get3A_206, %dot_general3A_215 : vector<512x1024xf32>
      %swap3A_217 = arith.constant 0 : index
      %swap3A_218 = arith.constant 0 : index
      %swap3A_219 = vector.load %arg5[%swap3A_217, %swap3A_218] : memref<512x1024xf32, #tpu.memory_space<vmem>>, vector<512x1024xf32>
      tpu.vector_store %arg5[%swap3A_217, %swap3A_218], %add3A_216 {strides = array<i32>} : memref<512x1024xf32, #tpu.memory_space<vmem>>, vector<512x1024xf32>,
    } else {
    }
    %add3A_175 = arith.constant 6 : i32
    %add3A_176 = arith.addi %select_n3A_90, %add3A_175 : i32
    %le3A_177 = arith.cmpi sle, %add3A_176, %select_n3A_99 : i32
    %convert_element_type3A_178 = arith.extui %le3A_177 : i1 to i32
    %cond3A_179 = arith.constant 0 : i32
    %cond3A_180 = arith.cmpi ne, %convert_element_type3A_178, %cond3A_179 : i32
    scf.if %cond3A_180 {
      %add3A_187 = arith.constant 6 : i32
      %add3A_188 = arith.addi %select_n3A_90, %add3A_187 : i32
      %min3A_189 = arith.constant 7 : i32
      %min3A_190 = arith.minsi %add3A_188, %min3A_189 : i32
      %get3A_191 = arith.index_cast %min3A_190 : i32 to index
      %get3A_192 = memref.load %arg1[%get3A_191] : memref<16xi32, #tpu.memory_space<smem>>
      %add3A_193 = arith.constant 8 : i32
      %add3A_194 = arith.addi %add3A_193, %min3A_190 : i32
      %get3A_195 = arith.index_cast %add3A_194 : i32 to index
      %get3A_196 = memref.load %arg1[%get3A_195] : memref<16xi32, #tpu.memory_space<smem>>
      %ge3A_197 = vector.broadcast %get3A_192 : i32 to vector<512x1xi32>
      %ge3A_198 = arith.cmpi sge, %add3A_3, %ge3A_197 : vector<512x1xi32>
      %lt3A_199 = vector.broadcast %get3A_196 : i32 to vector<512x1xi32>
      %lt3A_200 = arith.cmpi slt, %add3A_3, %lt3A_199 : vector<512x1xi32>
      %and3A_201 = arith.andi %ge3A_198, %lt3A_200 : vector<512x1xi1>
      %convert_element_type3A_202 = arith.extui %and3A_201 : vector<512x1xi1> to vector<512x1xi32>
      %convert_element_type3A_203 = arith.sitofp %convert_element_type3A_202 : vector<512x1xi32> to vector<512x1xf32>
      %get3A_204 = arith.constant 0 : index
      %get3A_205 = arith.constant 0 : index
      %get3A_206 = vector.load %arg5[%get3A_204, %get3A_205] : memref<512x1024xf32, #tpu.memory_space<vmem>>, vector<512x1024xf32>
      %mul3A_207 = vector.broadcast %convert_element_type3A_203 : vector<512x1xf32> to vector<512x128xf32>
      %mul3A_208 = arith.mulf %get3A_2, %mul3A_207 : vector<512x128xf32>
      %get3A_209 = arith.index_cast %min3A_190 : i32 to index
      %get3A_210 = arith.constant 0 : index
      %get3A_211 = arith.constant 0 : index
      %get3A_212 = vector.load %arg3[%get3A_209, %get3A_210, %get3A_211] : memref<8x128x1024xf32, #tpu.memory_space<vmem>>, vector<1x128x1024xf32>
      %get3A_213 = vector.shape_cast %get3A_212 : vector<1x128x1024xf32> to vector<128x1024xf32>
      %dot_general3A_214 = arith.constant dense<0.000000e+00> : vector<512x1024xf32>
      %dot_general3A_215 = tpu.matmul %mul3A_208, %get3A_213, %dot_general3A_214 {dimension_numbers = #tpu.dot_dimension_numbers<[1], [0], [0], [1], [0, 0, 1, 1], [], []>, transpose_lhs_hint = false} : vector<512x128xf32>, vector<128x1024xf32>, vector<512x1024xf32> -> vector<512x1024xf32>
      %add3A_216 = arith.addf %get3A_206, %dot_general3A_215 : vector<512x1024xf32>
      %swap3A_217 = arith.constant 0 : index
      %swap3A_218 = arith.constant 0 : index
      %swap3A_219 = vector.load %arg5[%swap3A_217, %swap3A_218] : memref<512x1024xf32, #tpu.memory_space<vmem>>, vector<512x1024xf32>
      tpu.vector_store %arg5[%swap3A_217, %swap3A_218], %add3A_216 {strides = array<i32>} : memref<512x1024xf32, #tpu.memory_space<vmem>>, vector<512x1024xf32>,
    } else {
    }
    %add3A_181 = arith.constant 7 : i32
    %add3A_182 = arith.addi %select_n3A_90, %add3A_181 : i32
    %le3A_183 = arith.cmpi sle, %add3A_182, %select_n3A_99 : i32
    %convert_element_type3A_184 = arith.extui %le3A_183 : i1 to i32
    %cond3A_185 = arith.constant 0 : i32
    %cond3A_186 = arith.cmpi ne, %convert_element_type3A_184, %cond3A_185 : i32
    scf.if %cond3A_186 {
      %add3A_187 = arith.constant 7 : i32
      %add3A_188 = arith.addi %select_n3A_90, %add3A_187 : i32
      %min3A_189 = arith.constant 7 : i32
      %min3A_190 = arith.minsi %add3A_188, %min3A_189 : i32
      %get3A_191 = arith.index_cast %min3A_190 : i32 to index
      %get3A_192 = memref.load %arg1[%get3A_191] : memref<16xi32, #tpu.memory_space<smem>>
      %add3A_193 = arith.constant 8 : i32
      %add3A_194 = arith.addi %add3A_193, %min3A_190 : i32
      %get3A_195 = arith.index_cast %add3A_194 : i32 to index
      %get3A_196 = memref.load %arg1[%get3A_195] : memref<16xi32, #tpu.memory_space<smem>>
      %ge3A_197 = vector.broadcast %get3A_192 : i32 to vector<512x1xi32>
      %ge3A_198 = arith.cmpi sge, %add3A_3, %ge3A_197 : vector<512x1xi32>
      %lt3A_199 = vector.broadcast %get3A_196 : i32 to vector<512x1xi32>
      %lt3A_200 = arith.cmpi slt, %add3A_3, %lt3A_199 : vector<512x1xi32>
      %and3A_201 = arith.andi %ge3A_198, %lt3A_200 : vector<512x1xi1>
      %convert_element_type3A_202 = arith.extui %and3A_201 : vector<512x1xi1> to vector<512x1xi32>
      %convert_element_type3A_203 = arith.sitofp %convert_element_type3A_202 : vector<512x1xi32> to vector<512x1xf32>
      %get3A_204 = arith.constant 0 : index
      %get3A_205 = arith.constant 0 : index
      %get3A_206 = vector.load %arg5[%get3A_204, %get3A_205] : memref<512x1024xf32, #tpu.memory_space<vmem>>, vector<512x1024xf32>
      %mul3A_207 = vector.broadcast %convert_element_type3A_203 : vector<512x1xf32> to vector<512x128xf32>
      %mul3A_208 = arith.mulf %get3A_2, %mul3A_207 : vector<512x128xf32>
      %get3A_209 = arith.index_cast %min3A_190 : i32 to index
      %get3A_210 = arith.constant 0 : index
      %get3A_211 = arith.constant 0 : index
      %get3A_212 = vector.load %arg3[%get3A_209, %get3A_210, %get3A_211] : memref<8x128x1024xf32, #tpu.memory_space<vmem>>, vector<1x128x1024xf32>
      %get3A_213 = vector.shape_cast %get3A_212 : vector<1x128x1024xf32> to vector<128x1024xf32>
      %dot_general3A_214 = arith.constant dense<0.000000e+00> : vector<512x1024xf32>
      %dot_general3A_215 = tpu.matmul %mul3A_208, %get3A_213, %dot_general3A_214 {dimension_numbers = #tpu.dot_dimension_numbers<[1], [0], [0], [1], [0, 0, 1, 1], [], []>, transpose_lhs_hint = false} : vector<512x128xf32>, vector<128x1024xf32>, vector<512x1024xf32> -> vector<512x1024xf32>
      %add3A_216 = arith.addf %get3A_206, %dot_general3A_215 : vector<512x1024xf32>
      %swap3A_217 = arith.constant 0 : index
      %swap3A_218 = arith.constant 0 : index
      %swap3A_219 = vector.load %arg5[%swap3A_217, %swap3A_218] : memref<512x1024xf32, #tpu.memory_space<vmem>>, vector<512x1024xf32>
      tpu.vector_store %arg5[%swap3A_217, %swap3A_218], %add3A_216 {strides = array<i32>} : memref<512x1024xf32, #tpu.memory_space<vmem>>, vector<512x1024xf32>,
    } else {
    }
    return
  }
  func.func @transform_0(%arg0: i32, %arg1: memref<16xi32, #tpu.memory_space<smem>>) -> (i32, i32) {
    %c0_i32 = arith.constant 0 : i32
    %c0_i32_0 = arith.constant 0 : i32
    return %arg0, %c0_i32 : i32, i32
  }
  func.func @transform_1(%arg0: i32, %arg1: memref<16xi32, #tpu.memory_space<smem>>) -> (i32, i32, i32) {
    %c0_i32 = arith.constant 0 : i32
    %c0_i32_0 = arith.constant 0 : i32
    %c0_i32_1 = arith.constant 0 : i32
    %c0_i32_2 = arith.constant 0 : i32
    return %c0_i32, %c0_i32_0, %c0_i32_1 : i32, i32, i32
  }
  func.func @transform_2(%arg0: i32, %arg1: memref<16xi32, #tpu.memory_space<smem>>) -> (i32, i32) {
    %c0_i32 = arith.constant 0 : i32
    %c0_i32_0 = arith.constant 0 : i32
    %c0_i32_1 = arith.constant 0 : i32
    return %c0_i32, %c0_i32_0 : i32, i32
  }
  func.func @transform_3(%arg0: i32, %arg1: memref<16xi32, #tpu.memory_space<smem>>) -> (i32, i32) {
    %c0_i32 = arith.constant 0 : i32
    %c0_i32_0 = arith.constant 0 : i32
    return %arg0, %c0_i32 : i32, i32
  }
}

</mosaic_0001>

<sc_bundles>
// kernel: kernel.6.cloned.1.call-start
scs
__scs_entry_jumppad:
0x0: {  	(pc) =	sbr.rel $0x88, $3  }
0x1: {  	(tag) =	ssettag $0x0;
	lr =	simm.s32 $0x1  }
0x2: {  	[smem:$0x3F9C] =	sst lr;
	_ =	strace $0xD0000000  }
0x3: {  	_ = 	snop  }
0x4: {  	_ = 	snop  }
0x5: {  	_ = 	snop  }
0x6: {  	_ = 	snop  }
0x7: {  	_ = 	snop  }
__scs_overlays_trampoline_lowered:
0x8: {  	[smem:$0x3FAB] =	sst s0  }
0x9: {  	[smem:$0x3FAC] =	sst s1  }
0xa: {  	[smem:$0x3FAD] =	sst s2  }
0xb: {  	[smem:$0x3FAE] =	sst s3  }
0xc: {  	[smem:$0x3FAF] =	sst s4  }
0xd: {  	[smem:$0x3FB0] =	sst s5  }
0xe: {  	[smem:$0x3FB1] =	sst s6  }
0xf: {  	[smem:$0x3FB2] =	sst s7  }
0x10: {  	[smem:$0x3FB3] =	sst s8  }
0x11: {  	[smem:$0x3FB4] =	sst s9;
	s0 =	simm.s32 @!p0 $0x0  }
0x12: {  	s1 =	sld [smem:$0x3F9A];
	s0 =	simm.s32 @p0 $0x1  }
0x13: {  	[smem:$0x3FB5] =	sst s0;
	s0 =	simm.s32 @!p1 $0x0  }
0x14: {  	s2 =	sld [smem:$0x3F99];
	s0 =	simm.s32 @p1 $0x1  }
0x15: {  	[smem:$0x3FB6] =	sst s0;
	s0 =	simm.s32 @!p2 $0x0  }
0x16: {  	s3 =	sld [smem:$0x3FDB];
	s0 =	simm.s32 @p2 $0x1  }
0x17: {  	s4 =	simm.s32 $0x1BF5;
	[smem:$0x3FB8] =	sst s0  }
0x18: {  	s0 =	sld [smem:$0x3F9B];
	_ =	swait.ge [sflag:s4], $0x0  }
0x19: {  	s7 =	sld [smem:$0x3F9C]  }
0x1a: {  	s8 =	sadd.s32 $0xFFFFE003, lr  }
0x1b: {  	s9 =	sadd.s32 $0xFFFFFEF7, lr;
	s5 =	simm.s32 $0xFFFFFFFF;
	p2 =	slt.u32 s8, $0xFFFFF086  }
0x1c: {  	p1 =	slt.u32 s9, $0xF7A;
	s5 =	simm.s32 @!p2 $0x0  }
0x1d: {  	s5 =	simm.s32 @p1 $0x1;
	p0 =	seq.s32 s7, s2  }
0x1e: {  	s7 =	smul.u32 @!p0 $0xF7A, s2;
	p2 =	seq.s32 @!p0 s5, $0x0  }
0x1f: {  	s9 =	smul.u32 $0xF7A, s1;
	s8 =	simm.s32 @!p0 $0x1BF5;
	p2 =	por !p2, p0  }
0x20: {  	[sflag:s8] =	ssyncset.s32 @!p0 $0xFFFFF086;
	s6 =	sadd.s32 @!p0 s3, s7;
	s7 =	simm.s32 @!p0 $0x108  }
0x21: {  	s3 =	sadd.s32 s3, s9;
	s6 =	sadd.s32 @!p0 $0x88, s6;
	s7 =	simm.s32 @p2 $0x1082  }
0x22: {  	[simem:s7], [sflag:s8] =	dma.local @!p0 [hbm:s6], $0xF7A  }
0x23: {  	s9 =	sor.u32 $0xD0000000, s2;
	s6 =	simm.s32 $0x108;
	_ =	swait.ge @!p0 [sflag:s8], $0x0  }
0x24: {  	s3 =	sadd.s32 $0x88, s3;
	s6 =	simm.s32 @!p1 $0x1082;
	[sflag:s4] =	ssyncset.s32 $0xFFFFF086  }
0x25: {  	[simem:s6], [sflag:s4] =	dma.local [hbm:s3], $0xF7A  }
0x26: {  	[smem:$0x3F9C] =	sst s1;
	(tag) =	ssettag s2;
	_ =	strace s9  }
0x27: {  	s1 =	sld [smem:$0x3FAC]  }
0x28: {  	s2 =	sld [smem:$0x3FAD]  }
0x29: {  	s4 =	sld [smem:$0x3FAF]  }
0x2a: {  	p0 =	seq.s32 s5, $0x0;
	s5 =	sld [smem:$0x3FB0]  }
0x2b: {  	s6 =	sld [smem:$0x3FB1]  }
0x2c: {  	s7 =	sld [smem:$0x3FB2]  }
0x2d: {  	s3 =	simm.s32 $0x108;
	s8 =	sld [smem:$0x3FB3]  }
0x2e: {  	s3 =	simm.s32 @!p0 $0x1082;
	s9 =	sld [smem:$0x3FB4]  }
0x2f: {  	lr =	sadd.s32 s0, s3;
	s0 =	sld [smem:$0x3FAB]  }
0x30: {  	s3 =	sld [smem:$0x3FAE]  }
0x31: {  	[smem:$0x3FB7] =	sst s10  }
0x32: {  	s10 =	sld [smem:$0x3FB5];
	_ =	sdelay $0x3  }
0x33: {  	p0 =	seq.s32 s10, $0x1;
	s10 =	sld [smem:$0x3FB7];
	_ =	sdelay $0x3  }
0x34: {  	[smem:$0x3FB7] =	sst s10  }
0x35: {  	s10 =	sld [smem:$0x3FB6];
	_ =	sdelay $0x3  }
0x36: {  	p1 =	seq.s32 s10, $0x1;
	s10 =	sld [smem:$0x3FB7];
	_ =	sdelay $0x3  }
0x37: {  	[smem:$0x3FB7] =	sst s10  }
0x38: {  	s10 =	sld [smem:$0x3FB8]  }
0x39: {  	_ = 	snop;
	(pc) =	sbr.ind lr, $3  }
0x3a: {  	_ = 	snop  }
0x3b: {  	_ = 	snop  }
0x3c: {  	p2 =	seq.s32 s10, $0x1;
	s10 =	sld [smem:$0x3FB7]  }
0x3d: {  	_ =	shalt  }
0x3e: {  	_ =	shalt  }
0x3f: {  	_ =	shalt  }
0x40: {  	_ =	shalt  }
0x41: {  	_ =	shalt  }
0x42: {  	_ =	shalt  }
0x43: {  	_ =	shalt  }
0x44: {  	_ =	shalt  }
0x45: {  	_ =	shalt  }
0x46: {  	_ =	shalt  }
0x47: {  	_ =	shalt  }
0x48: {  	_ =	shalt  }
0x49: {  	_ =	shalt  }
0x4a: {  	_ =	shalt  }
0x4b: {  	_ =	shalt  }
0x4c: {  	_ =	shalt  }
0x4d: {  	_ =	shalt  }
0x4e: {  	_ =	shalt  }
0x4f: {  	_ =	shalt  }
0x50: {  	_ =	shalt  }
0x51: {  	_ =	shalt  }
0x52: {  	_ =	shalt  }
0x53: {  	_ =	shalt  }
0x54: {  	_ =	shalt  }
0x55: {  	_ =	shalt  }
0x56: {  	_ =	shalt  }
0x57: {  	_ =	shalt  }
0x58: {  	_ =	shalt  }
0x59: {  	_ =	shalt  }
0x5a: {  	_ =	shalt  }
0x5b: {  	_ =	shalt  }
0x5c: {  	_ =	shalt  }
0x5d: {  	_ =	shalt  }
0x5e: {  	_ =	shalt  }
0x5f: {  	_ =	shalt  }
0x60: {  	_ =	shalt  }
0x61: {  	_ =	shalt  }
0x62: {  	_ =	shalt  }
0x63: {  	_ =	shalt  }
0x64: {  	_ =	shalt  }
0x65: {  	_ =	shalt  }
0x66: {  	_ =	shalt  }
0x67: {  	_ =	shalt  }
0x68: {  	_ =	shalt  }
0x69: {  	_ =	shalt  }
0x6a: {  	_ =	shalt  }
0x6b: {  	_ =	shalt  }
0x6c: {  	_ =	shalt  }
0x6d: {  	_ =	shalt  }
0x6e: {  	_ =	shalt  }
0x6f: {  	_ =	shalt  }
0x70: {  	_ =	shalt  }
0x71: {  	_ =	shalt  }
0x72: {  	_ =	shalt  }
0x73: {  	_ =	shalt  }
0x74: {  	_ =	shalt  }
0x75: {  	_ =	shalt  }
0x76: {  	_ =	shalt  }
0x77: {  	_ =	shalt  }
0x78: {  	_ =	shalt  }
0x79: {  	_ =	shalt  }
0x7a: {  	_ =	shalt  }
0x7b: {  	_ =	shalt  }
0x7c: {  	_ =	shalt  }
0x7d: {  	_ =	shalt  }
0x7e: {  	_ =	shalt  }
0x7f: {  	_ =	shalt  }
0x80: {  	_ =	shalt  }
0x81: {  	_ =	shalt  }
0x82: {  	_ =	shalt  }
0x83: {  	_ =	shalt  }
0x84: {  	_ =	shalt  }
0x85: {  	_ =	shalt  }
0x86: {  	_ =	shalt  }
0x87: {  	_ =	shalt  }
.Lfunc_end0:
.L_simem_size_0:
called_computation_lowered:
.L_overlay_start_0:
0x88: {  	s2 =	sld [smem:$0x3FD9]  }
0x89: {  	s3 =	sld [smem:$0x3FFE];
	_ =	sdelay $0x1  }
0x8a: {  	s1 =	srdreg.scid  }
0x8b: {  	s0 =	sand.u32 $0x1, s1  }
0x8c: {  	s17 =	sshll.u32 s0, $0xA;
	s2 =	sadd.s32 s3, s2  }
0x8d: {  	s2 =	sadd.s32 s2, s17  }
0x8e: {  	[smem:$0x3FC3] =	sst s2  }
0x8f: {  	_ = 	snop  }
0x90: {  	s2 =	sld [smem:$0x3FD0];
	(tm) =	ssettm $0x1  }
0x91: {  	s18 =	sld [smem:$0x3FFB];
	_ =	sdelay $0x3  }
0x92: {  	_ =	strace s18  }
0x93: {  	s3 =	sld [smem:$0x3FFC];
	_ =	sdelay $0x3  }
0x94: {  	_ =	strace s3  }
0x95: {  	s3 =	sld [smem:$0x3FFD];
	_ =	sdelay $0x3  }
0x96: {  	_ =	strace s3  }
0x97: {  	_ =	strace $0x8FFFFFFF  }
0x98: {  	s19 =	sld [smem:$0x3FDB];
	_ =	sdelay $0x1  }
0x99: {  	s4 =	simm.s32 $_scs_section_size  }
0x9a: {  	s5 =	simm.s32 $_size__tile_overlayer_lowered;
	s6 =	simm.s32 $_tile_overlayer_lowered  }
0x9b: {  	s22 =	simm.s32 $0x1BFF;
	s21 =	sshll.u32 s6, $0x1;
	s3 =	sadd.s32 s4, s19  }
0x9c: {  	s7 =	simm.s32 $0x0;
	s20 =	sshll.u32 s5, $0x1;
	s5 =	sadd.s32 s21, s3  }
0x9d: {  	[timem:s7], [sflag:s22] =	dma.local [hbm:s5], s20  }
0x9e: {  	_ =	swait.ge [sflag:s22], s20  }
0x9f: {  	s4 =	ssub.s32 $0x0, s20;
	[sflag:s22] =	ssyncset.done $0x0  }
0xa0: {  	[sflag:s22] =	ssyncadd.s32 s4;
	_ =	sdelay $0x1  }
0xa1: {  	s23 =	simm.s32 $0x1B8B  }
0xa2: {  	_ =	swait.ge [sflag:s23], $0x1  }
0xa3: {  	[sflag:s23] =	ssyncset.done $0x0  }
0xa4: {  	s25 =	simm.s32 $0x1B8E;
	s24 =	sld [smem:$0x3FFE];
	[sflag:s23] =	ssyncadd.s32 $0xFFFFFFFF  }
0xa5: {  	s26 =	simm.s32 $execute0_lowered;
	[smem:$0x3FD2] =	sst s25  }
0xa6: {  	s5 =	sshll.u32 s26, $0x1;
	_ =	strace $0x80000046;
	[dreg:$0x1] =	wrdreg $0xFFFFFFFF  }
0xa7: {  	s28 =	simm.s32 $_size_execute0_lowered;
	s3 =	sadd.s32 s3, s5;
	[dreg:$0x0] =	wrdreg $0x0  }
0xa8: {  	s5 =	sshll.u32 s28, $0x1;
	[dreg:$0x2] =	wrdreg s3  }
0xa9: {  	[dreg:$0x3] =	wrdreg s5  }
0xaa: {  	[dreg:$0x4] =	wrdreg $0xC0  }
0xab: {  	_ =	task [dreg:s7], $0x5FFFF  }
0xac: {  	[dreg:$0x1] =	wrdreg $0xFFFFFFFF  }
0xad: {  	[dreg:$0x0] =	wrdreg $0x60  }
0xae: {  	[dreg:$0x2] =	wrdreg s2  }
0xaf: {  	[dreg:$0x3] =	wrdreg s24  }
0xb0: {  	[dreg:$0x4] =	wrdreg $0x9  }
0xb1: {  	_ =	task.clear_ibuf [dreg:s7], $0x5FFFF;
	_ =	strace $0x90000046  }
0xb2: {  	s29 =	simm.s32 $0x9;
	_ =	strace $0x80000048  }
0xb3: {  	_ =	swait.ge [sflag:s29], $0x1  }
0xb4: {  	[sflag:s29] =	ssyncadd.s32 $0xFFFFFFFF  }
0xb5: {  	_ =	strace $0x90000048  }
0xb6: {  	_ =	sfence  }
0xb7: {  	s30 =	sld [smem:$0x0];
	_ =	sdelay $0x2  }
0xb8: {  	s31 =	sshll.u32 s1, $0xD;
	s1 =	sshrl.u32 s1, $0x2  }
0xb9: {  	s3 =	sand.u32 $0x4000, s31;
	s1 =	sadd.s32 s1, s30  }
0xba: {  	s0 =	sor.u32 s3, s0;
	s1 =	sshll.u32 s1, $0x11  }
0xbb: {  	s0 =	sor.u32 s1, s0  }
0xbc: {  	s0 =	sadd.s32 $0x8F2B, s0  }
0xbd: {  	[sflag:s0] =	ssyncadd.remote.s32 $0x1  }
0xbe: {  	_ =	sfence.sel $0xFFFF  }
0xbf: {  	[dreg:$0x0] =	wrdreg $0xFFFFFFFF;
	(pc) =	sbr.abs _section_cstart, $3  }
0xc0: {  	[dreg:$0x1] =	wrdreg $0xFFFFFFFF  }
0xc1: {  	_ =	task.clear_ibuf [dreg:s7], $0x2FFFF;
	_ =	strace $0x9FFFFFFF  }
0xc2: {  	(tm) =	ssettm $0x7FFFFFFF  }
0xc3: {  	_ =	shalt  }
tec
execute0_lowered:
.L_overlay_start_1:
0x0: {  	(tag) =	ssettag $0x1  }
0x1: {  	s1 =	srdreg.scid  }
0x2: {  	s0 =	stileid.u32;
	s5 =	sand.u32 $0x1, s1  }
0x3: {  	s6 =	rddreg [dreg:$0x0];
	s29 =	sshll.u32 s0, $0x8;
	s2 =	sshll.u32 s5, $0x7  }
0x4: {  	s7 =	rddreg [dreg:$0x1];
	s8 =	sor.u32 s2, s29  }
0x5: {  	s1 =	rddreg [dreg:$0x2];
	s2 =	simm.s32 $0x0;
	s3 =	sshrl.u32 s8, $0x3  }
0x6: {  	s4 =	simm.s32 $0x2;
	[smem:$0x7FF] =	sst s2;
	s3 =	sadd.s32 s3, s7  }
0x7: {  	s9 =	ssub.s32 $0x2, s5;
	_ =	strace $0x80000047;
	s3 =	sadd.s32 $0x1800, s3  }
0x8: {  	[tilespmem:s2], [sflag:$0x2] =	stream.linear.gather [hbm4b:s3+s2], $0x80, $0x38;
	[tilespmem:$0x4080] =	vst v63  }
0x9: {  	s31 =	sshrl.u32 s9, $0x1;
	s30 =	sshll.u32 s8, $0x4;
	_ =	swait.ge [sflag:s4], $0x80  }
0xa: {  	s8 =	ssub.s32 s9, s31;
	s5 =	sadd.s32 s6, s30;
	[sflag:s4] =	ssyncset.done $0x0  }
0xb: {  	s6 =	simm.s32 $0x80;
	s9 =	smax.u32 s8, $0x1;
	[sflag:s4] =	ssyncadd.s32 $0xFFFFFF80  }
0xc: {  	[tilespmem:s6], [sflag:$0x2] =	stream.linear.gather [hbm4b:s5+s2], $0x4000, $0x38;
	[tilespmem:$0x4080] =	vst v63  }
0xd: {  	p0 =	sne.s32 s9, $0x1;
	_ =	swait.ge [sflag:s4], $0x4000  }
.Ltmp0:
0xe: {  	[sflag:s4] =	ssyncset.done $0x0;
	(pc) =	sbr.rel @!p0 .LBB2_2-.Ltmp0, $4  }
0xf: {  	s7 =	sadd.s32 $0x1A00, s7;
	s8 =	simm.s32 $0x1;
	[sflag:s4] =	ssyncadd.s32 $0xFFFFC000  }
0x10: {  	[hbm4b:s7+s6] =	stream.indirect.scatter [tilespmem:s6], [sflag:$0x1], $0x80, s2, s6, $0xb8;
	[tilespmem:$0x4080] =	vst v63  }
0x11: {  	_ =	swait.ge [sflag:s8], $0x4000  }
0x12: {  	s9 =	sadd.s32 $0xFFFFFFFF, s9;
	[sflag:s8] =	ssyncset.done $0x0  }
.LBB2_1:
0x13: {  	p0 =	sne.s32 s9, $0x1;
	s9 =	sadd.s32 $0xFFFFFFFF, s9;
	[sflag:s8] =	ssyncadd.s32 $0xFFFFC000  }
0x14: {  	[tilespmem:s2], [sflag:$0x2] =	stream.linear.gather [hbm4b:s3+s2], $0x80, $0x38;
	[tilespmem:$0x4080] =	vst v63  }
0x15: {  	_ =	swait.ge [sflag:s4], $0x80  }
0x16: {  	[sflag:s4] =	ssyncset.done $0x0  }
0x17: {  	[sflag:s4] =	ssyncadd.s32 $0xFFFFFF80  }
0x18: {  	[tilespmem:s6], [sflag:$0x2] =	stream.linear.gather [hbm4b:s5+s2], $0x4000, $0x38;
	[tilespmem:$0x4080] =	vst v63  }
0x19: {  	_ =	swait.ge [sflag:s4], $0x4000  }
.Ltmp1:
0x1a: {  	[sflag:s4] =	ssyncset.done $0x0;
	(pc) =	sbr.rel @p0 .LBB2_1-.Ltmp1, $4  }
0x1b: {  	[sflag:s4] =	ssyncadd.s32 $0xFFFFC000  }
0x1c: {  	[hbm4b:s7+s6] =	stream.indirect.scatter [tilespmem:s6], [sflag:$0x1], $0x80, s2, s6, $0xb8;
	[tilespmem:$0x4080] =	vst v63  }
0x1d: {  	_ =	swait.ge [sflag:s8], $0x4000  }
0x1e: {  	[sflag:s8] =	ssyncset.done $0x0  }
.LBB2_2:
0x1f: {  	[sflag:s8] =	ssyncadd.s32 $0xFFFFC000  }
0x20: {  	_ =	sfence.sel $0x180000  }
0x21: {  	[bflag:$0x0] =	sbarrier.arrive $0xFFFF  }
0x22: {  	p0 =	sne.s32 s0, $0x0;
	_ =	strace $0x90000047  }
0x23: {  	s0 =	sadd.s32 @!p0 $0x100000, s1;
	[bflag:$0x2] =	sbarrier.arrive $0xFFFF  }
0x24: {  	[sflag:s0] =	ssyncadd.tile.s32 @!p0 $0x1;
	_ =	shalt  }
.Lfunc_end2:
_tile_overlayer_lowered:
.L_overlay_start_2:
0x25: {  	(tag) =	ssettag $0x2  }
0x26: {  	s0 =	rddreg [dreg:$0x0];
	s2 =	stileid.u32  }
0x27: {  	s1 =	rddreg [dreg:$0x1];
	p0 =	sne.s32 s2, $0x0  }
0x28: {  	s3 =	rddreg [dreg:$0x2];
	[bflag:$0x3] =	sbarrier.arrive $0xFFFF;
	s2 =	simm.s32 @!p0 $0x1C02  }
0x29: {  	[timem:s3], [sflag:s2] =	dma.local @!p0 [hbm:s0], s1  }
0x2a: {  	s0 =	simm.s32 @!p0 $0x2  }
0x2b: {  	_ =	swait.ge @!p0 [sflag:s0], s1  }
0x2c: {  	s1 =	ssub.s32 @!p0 $0x0, s1;
	[sflag:s0] =	ssyncset.done @!p0 $0x0  }
0x2d: {  	[sflag:s0] =	ssyncadd.s32 @!p0 s1  }
0x2e: {  	[bflag:$0x3] =	sbarrier.arrive $0xFFFF  }
0x2f: {  	_ =	shalt  }

// kernel: kernel.9.cloned.1.call-start
scs
__scs_entry_jumppad:
0x0: {  	(pc) =	sbr.rel $0x88, $3  }
0x1: {  	(tag) =	ssettag $0x0;
	lr =	simm.s32 $0x1  }
0x2: {  	[smem:$0x3F9C] =	sst lr;
	_ =	strace $0xD0000000  }
0x3: {  	_ = 	snop  }
0x4: {  	_ = 	snop  }
0x5: {  	_ = 	snop  }
0x6: {  	_ = 	snop  }
0x7: {  	_ = 	snop  }
__scs_overlays_trampoline_lowered:
0x8: {  	[smem:$0x3FAB] =	sst s0  }
0x9: {  	[smem:$0x3FAC] =	sst s1  }
0xa: {  	[smem:$0x3FAD] =	sst s2  }
0xb: {  	[smem:$0x3FAE] =	sst s3  }
0xc: {  	[smem:$0x3FAF] =	sst s4  }
0xd: {  	[smem:$0x3FB0] =	sst s5  }
0xe: {  	[smem:$0x3FB1] =	sst s6  }
0xf: {  	[smem:$0x3FB2] =	sst s7  }
0x10: {  	[smem:$0x3FB3] =	sst s8  }
0x11: {  	[smem:$0x3FB4] =	sst s9;
	s0 =	simm.s32 @!p0 $0x0  }
0x12: {  	s1 =	sld [smem:$0x3F9A];
	s0 =	simm.s32 @p0 $0x1  }
0x13: {  	[smem:$0x3FB5] =	sst s0;
	s0 =	simm.s32 @!p1 $0x0  }
0x14: {  	s2 =	sld [smem:$0x3F99];
	s0 =	simm.s32 @p1 $0x1  }
0x15: {  	[smem:$0x3FB6] =	sst s0;
	s0 =	simm.s32 @!p2 $0x0  }
0x16: {  	s3 =	sld [smem:$0x3FDB];
	s0 =	simm.s32 @p2 $0x1  }
0x17: {  	s4 =	simm.s32 $0x1BF5;
	[smem:$0x3FB8] =	sst s0  }
0x18: {  	s0 =	sld [smem:$0x3F9B];
	_ =	swait.ge [sflag:s4], $0x0  }
0x19: {  	s7 =	sld [smem:$0x3F9C]  }
0x1a: {  	s8 =	sadd.s32 $0xFFFFE003, lr  }
0x1b: {  	s9 =	sadd.s32 $0xFFFFFEF7, lr;
	s5 =	simm.s32 $0xFFFFFFFF;
	p2 =	slt.u32 s8, $0xFFFFF086  }
0x1c: {  	p1 =	slt.u32 s9, $0xF7A;
	s5 =	simm.s32 @!p2 $0x0  }
0x1d: {  	s5 =	simm.s32 @p1 $0x1;
	p0 =	seq.s32 s7, s2  }
0x1e: {  	s7 =	smul.u32 @!p0 $0xF7A, s2;
	p2 =	seq.s32 @!p0 s5, $0x0  }
0x1f: {  	s9 =	smul.u32 $0xF7A, s1;
	s8 =	simm.s32 @!p0 $0x1BF5;
	p2 =	por !p2, p0  }
0x20: {  	[sflag:s8] =	ssyncset.s32 @!p0 $0xFFFFF086;
	s6 =	sadd.s32 @!p0 s3, s7;
	s7 =	simm.s32 @!p0 $0x108  }
0x21: {  	s3 =	sadd.s32 s3, s9;
	s6 =	sadd.s32 @!p0 $0x88, s6;
	s7 =	simm.s32 @p2 $0x1082  }
0x22: {  	[simem:s7], [sflag:s8] =	dma.local @!p0 [hbm:s6], $0xF7A  }
0x23: {  	s9 =	sor.u32 $0xD0000000, s2;
	s6 =	simm.s32 $0x108;
	_ =	swait.ge @!p0 [sflag:s8], $0x0  }
0x24: {  	s3 =	sadd.s32 $0x88, s3;
	s6 =	simm.s32 @!p1 $0x1082;
	[sflag:s4] =	ssyncset.s32 $0xFFFFF086  }
0x25: {  	[simem:s6], [sflag:s4] =	dma.local [hbm:s3], $0xF7A  }
0x26: {  	[smem:$0x3F9C] =	sst s1;
	(tag) =	ssettag s2;
	_ =	strace s9  }
0x27: {  	s1 =	sld [smem:$0x3FAC]  }
0x28: {  	s2 =	sld [smem:$0x3FAD]  }
0x29: {  	s4 =	sld [smem:$0x3FAF]  }
0x2a: {  	p0 =	seq.s32 s5, $0x0;
	s5 =	sld [smem:$0x3FB0]  }
0x2b: {  	s6 =	sld [smem:$0x3FB1]  }
0x2c: {  	s7 =	sld [smem:$0x3FB2]  }
0x2d: {  	s3 =	simm.s32 $0x108;
	s8 =	sld [smem:$0x3FB3]  }
0x2e: {  	s3 =	simm.s32 @!p0 $0x1082;
	s9 =	sld [smem:$0x3FB4]  }
0x2f: {  	lr =	sadd.s32 s0, s3;
	s0 =	sld [smem:$0x3FAB]  }
0x30: {  	s3 =	sld [smem:$0x3FAE]  }
0x31: {  	[smem:$0x3FB7] =	sst s10  }
0x32: {  	s10 =	sld [smem:$0x3FB5];
	_ =	sdelay $0x3  }
0x33: {  	p0 =	seq.s32 s10, $0x1;
	s10 =	sld [smem:$0x3FB7];
	_ =	sdelay $0x3  }
0x34: {  	[smem:$0x3FB7] =	sst s10  }
0x35: {  	s10 =	sld [smem:$0x3FB6];
	_ =	sdelay $0x3  }
0x36: {  	p1 =	seq.s32 s10, $0x1;
	s10 =	sld [smem:$0x3FB7];
	_ =	sdelay $0x3  }
0x37: {  	[smem:$0x3FB7] =	sst s10  }
0x38: {  	s10 =	sld [smem:$0x3FB8]  }
0x39: {  	_ = 	snop;
	(pc) =	sbr.ind lr, $3  }
0x3a: {  	_ = 	snop  }
0x3b: {  	_ = 	snop  }
0x3c: {  	p2 =	seq.s32 s10, $0x1;
	s10 =	sld [smem:$0x3FB7]  }
0x3d: {  	_ =	shalt  }
0x3e: {  	_ =	shalt  }
0x3f: {  	_ =	shalt  }
0x40: {  	_ =	shalt  }
0x41: {  	_ =	shalt  }
0x42: {  	_ =	shalt  }
0x43: {  	_ =	shalt  }
0x44: {  	_ =	shalt  }
0x45: {  	_ =	shalt  }
0x46: {  	_ =	shalt  }
0x47: {  	_ =	shalt  }
0x48: {  	_ =	shalt  }
0x49: {  	_ =	shalt  }
0x4a: {  	_ =	shalt  }
0x4b: {  	_ =	shalt  }
0x4c: {  	_ =	shalt  }
0x4d: {  	_ =	shalt  }
0x4e: {  	_ =	shalt  }
0x4f: {  	_ =	shalt  }
0x50: {  	_ =	shalt  }
0x51: {  	_ =	shalt  }
0x52: {  	_ =	shalt  }
0x53: {  	_ =	shalt  }
0x54: {  	_ =	shalt  }
0x55: {  	_ =	shalt  }
0x56: {  	_ =	shalt  }
0x57: {  	_ =	shalt  }
0x58: {  	_ =	shalt  }
0x59: {  	_ =	shalt  }
0x5a: {  	_ =	shalt  }
0x5b: {  	_ =	shalt  }
0x5c: {  	_ =	shalt  }
0x5d: {  	_ =	shalt  }
0x5e: {  	_ =	shalt  }
0x5f: {  	_ =	shalt  }
0x60: {  	_ =	shalt  }
0x61: {  	_ =	shalt  }
0x62: {  	_ =	shalt  }
0x63: {  	_ =	shalt  }
0x64: {  	_ =	shalt  }
0x65: {  	_ =	shalt  }
0x66: {  	_ =	shalt  }
0x67: {  	_ =	shalt  }
0x68: {  	_ =	shalt  }
0x69: {  	_ =	shalt  }
0x6a: {  	_ =	shalt  }
0x6b: {  	_ =	shalt  }
0x6c: {  	_ =	shalt  }
0x6d: {  	_ =	shalt  }
0x6e: {  	_ =	shalt  }
0x6f: {  	_ =	shalt  }
0x70: {  	_ =	shalt  }
0x71: {  	_ =	shalt  }
0x72: {  	_ =	shalt  }
0x73: {  	_ =	shalt  }
0x74: {  	_ =	shalt  }
0x75: {  	_ =	shalt  }
0x76: {  	_ =	shalt  }
0x77: {  	_ =	shalt  }
0x78: {  	_ =	shalt  }
0x79: {  	_ =	shalt  }
0x7a: {  	_ =	shalt  }
0x7b: {  	_ =	shalt  }
0x7c: {  	_ =	shalt  }
0x7d: {  	_ =	shalt  }
0x7e: {  	_ =	shalt  }
0x7f: {  	_ =	shalt  }
0x80: {  	_ =	shalt  }
0x81: {  	_ =	shalt  }
0x82: {  	_ =	shalt  }
0x83: {  	_ =	shalt  }
0x84: {  	_ =	shalt  }
0x85: {  	_ =	shalt  }
0x86: {  	_ =	shalt  }
0x87: {  	_ =	shalt  }
.Lfunc_end0:
.L_simem_size_0:
called_computation.1_lowered:
.L_overlay_start_0:
0x88: {  	s2 =	sld [smem:$0x3FD9]  }
0x89: {  	s3 =	sld [smem:$0x3FFE];
	_ =	sdelay $0x1  }
0x8a: {  	s1 =	srdreg.scid  }
0x8b: {  	s0 =	sand.u32 $0x1, s1  }
0x8c: {  	s17 =	sshll.u32 s0, $0xA;
	s2 =	sadd.s32 s3, s2  }
0x8d: {  	s2 =	sadd.s32 s2, s17  }
0x8e: {  	[smem:$0x3FC3] =	sst s2  }
0x8f: {  	_ = 	snop  }
0x90: {  	s2 =	sld [smem:$0x3FD0];
	(tm) =	ssettm $0x1  }
0x91: {  	s18 =	sld [smem:$0x3FFB];
	_ =	sdelay $0x3  }
0x92: {  	_ =	strace s18  }
0x93: {  	s3 =	sld [smem:$0x3FFC];
	_ =	sdelay $0x3  }
0x94: {  	_ =	strace s3  }
0x95: {  	s3 =	sld [smem:$0x3FFD];
	_ =	sdelay $0x3  }
0x96: {  	_ =	strace s3  }
0x97: {  	_ =	strace $0x8FFFFFFF  }
0x98: {  	s19 =	sld [smem:$0x3FDB];
	_ =	sdelay $0x1  }
0x99: {  	s4 =	simm.s32 $_scs_section_size  }
0x9a: {  	s5 =	simm.s32 $_size__tile_overlayer_lowered;
	s6 =	simm.s32 $_tile_overlayer_lowered  }
0x9b: {  	s22 =	simm.s32 $0x1BFF;
	s21 =	sshll.u32 s6, $0x1;
	s3 =	sadd.s32 s4, s19  }
0x9c: {  	s7 =	simm.s32 $0x0;
	s20 =	sshll.u32 s5, $0x1;
	s5 =	sadd.s32 s21, s3  }
0x9d: {  	[timem:s7], [sflag:s22] =	dma.local [hbm:s5], s20  }
0x9e: {  	_ =	swait.ge [sflag:s22], s20  }
0x9f: {  	s4 =	ssub.s32 $0x0, s20;
	[sflag:s22] =	ssyncset.done $0x0  }
0xa0: {  	[sflag:s22] =	ssyncadd.s32 s4;
	_ =	sdelay $0x1  }
0xa1: {  	s23 =	simm.s32 $0x1B8B  }
0xa2: {  	_ =	swait.ge [sflag:s23], $0x1  }
0xa3: {  	[sflag:s23] =	ssyncset.done $0x0  }
0xa4: {  	s25 =	simm.s32 $0x1B8E;
	s24 =	sld [smem:$0x3FFE];
	[sflag:s23] =	ssyncadd.s32 $0xFFFFFFFF  }
0xa5: {  	s26 =	simm.s32 $execute0_lowered;
	[smem:$0x3FD2] =	sst s25  }
0xa6: {  	s5 =	sshll.u32 s26, $0x1;
	_ =	strace $0x80000049;
	[dreg:$0x1] =	wrdreg $0xFFFFFFFF  }
0xa7: {  	s28 =	simm.s32 $_size_execute0_lowered;
	s3 =	sadd.s32 s3, s5;
	[dreg:$0x0] =	wrdreg $0x0  }
0xa8: {  	s5 =	sshll.u32 s28, $0x1;
	[dreg:$0x2] =	wrdreg s3  }
0xa9: {  	[dreg:$0x3] =	wrdreg s5  }
0xaa: {  	[dreg:$0x4] =	wrdreg $0xC0  }
0xab: {  	_ =	task [dreg:s7], $0x5FFFF  }
0xac: {  	[dreg:$0x1] =	wrdreg $0xFFFFFFFF  }
0xad: {  	[dreg:$0x0] =	wrdreg $0x60  }
0xae: {  	[dreg:$0x2] =	wrdreg s24  }
0xaf: {  	[dreg:$0x3] =	wrdreg s2  }
0xb0: {  	[dreg:$0x4] =	wrdreg $0x9  }
0xb1: {  	_ =	task.clear_ibuf [dreg:s7], $0x5FFFF;
	_ =	strace $0x90000049  }
0xb2: {  	s29 =	simm.s32 $0x9;
	_ =	strace $0x8000004B  }
0xb3: {  	_ =	swait.ge [sflag:s29], $0x1  }
0xb4: {  	[sflag:s29] =	ssyncadd.s32 $0xFFFFFFFF  }
0xb5: {  	_ =	strace $0x9000004B  }
0xb6: {  	_ =	sfence  }
0xb7: {  	s30 =	sld [smem:$0x0];
	_ =	sdelay $0x2  }
0xb8: {  	s31 =	sshll.u32 s1, $0xD;
	s1 =	sshrl.u32 s1, $0x2  }
0xb9: {  	s3 =	sand.u32 $0x4000, s31;
	s1 =	sadd.s32 s1, s30  }
0xba: {  	s0 =	sor.u32 s3, s0;
	s1 =	sshll.u32 s1, $0x11  }
0xbb: {  	s0 =	sor.u32 s1, s0  }
0xbc: {  	s0 =	sadd.s32 $0x8F2B, s0  }
0xbd: {  	[sflag:s0] =	ssyncadd.remote.s32 $0x1  }
0xbe: {  	_ =	sfence.sel $0xFFFF  }
0xbf: {  	[dreg:$0x0] =	wrdreg $0xFFFFFFFF;
	(pc) =	sbr.abs _section_cstart, $3  }
0xc0: {  	[dreg:$0x1] =	wrdreg $0xFFFFFFFF  }
0xc1: {  	_ =	task.clear_ibuf [dreg:s7], $0x2FFFF;
	_ =	strace $0x9FFFFFFF  }
0xc2: {  	(tm) =	ssettm $0x7FFFFFFF  }
0xc3: {  	_ =	shalt  }
tec
execute0_lowered:
.L_overlay_start_1:
0x0: {  	(tag) =	ssettag $0x1  }
0x1: {  	s1 =	srdreg.scid;
	s0 =	stileid.u32  }
0x2: {  	s7 =	rddreg [dreg:$0x0];
	s1 =	sand.u32 $0x1, s1;
	s2 =	sshll.u32 s0, $0x1  }
0x3: {  	s3 =	rddreg [dreg:$0x1];
	s4 =	sor.u32 s1, s2;
	s2 =	simm.s32 $0x0  }
0x4: {  	s23 =	simm.s32 $0x8A00;
	[smem:$0x7FF] =	sst s2  }
0x5: {  	s24 =	simm.s32 $0x9200;
	_ =	strace $0x8000004A;
	[dreg:$0x7] =	wrdreg s23  }
0x6: {  	s25 =	simm.s32 $0x9A00;
	[dreg:$0x8] =	wrdreg s24  }
0x7: {  	s26 =	simm.s32 $0xA200;
	[dreg:$0x9] =	wrdreg s25  }
0x8: {  	s29 =	simm.s32 $0xAA00;
	s6 =	simm.s32 $0xBA00;
	[dreg:$0xa] =	wrdreg s26  }
0x9: {  	s8 =	simm.s32 $0xC200;
	s0 =	simm.s32 $0xB200;
	[dreg:$0xb] =	wrdreg s29  }
0xa: {  	s9 =	simm.s32 $0xCA00;
	s10 =	simm.s32 $0xD200;
	[dreg:$0xc] =	wrdreg s0  }
0xb: {  	s11 =	simm.s32 $0xE200;
	s12 =	simm.s32 $0xF200;
	[dreg:$0xd] =	wrdreg s6  }
0xc: {  	s13 =	simm.s32 $0xFA00;
	s14 =	simm.s32 $0x10A00;
	[dreg:$0xe] =	wrdreg s8  }
0xd: {  	s15 =	simm.s32 $0x11200;
	s16 =	simm.s32 $0x11A00;
	[dreg:$0xf] =	wrdreg s9  }
0xe: {  	s17 =	simm.s32 $0x12200;
	s18 =	simm.s32 $0x12A00;
	[dreg:$0x10] =	wrdreg s10  }
0xf: {  	s19 =	simm.s32 $0x13200;
	s20 =	simm.s32 $0x13A00;
	[dreg:$0x12] =	wrdreg s11  }
0x10: {  	s28 =	simm.s32 $0x10200;
	s30 =	simm.s32 $0x1;
	[dreg:$0x14] =	wrdreg s12  }
0x11: {  	s31 =	simm.s32 $0x2;
	s1 =	ssub.s32 $0x2, s1;
	[dreg:$0x15] =	wrdreg s13  }
0x12: {  	s5 =	sshll.u32 s4, $0x6;
	s4 =	sshll.u32 s4, $0xE;
	[dreg:$0x16] =	wrdreg s14  }
0x13: {  	s5 =	sadd.s32 s5, s7;
	s3 =	sadd.s32 s3, s4;
	[dreg:$0x17] =	wrdreg s15  }
0x14: {  	s6 =	sshrl.u32 s1, $0x1;
	s8 =	simm.s32 $0xDA00;
	[dreg:$0x18] =	wrdreg s16  }
0x15: {  	s9 =	simm.s32 $0xEA00;
	s10 =	simm.s32 $0x200;
	[dreg:$0x19] =	wrdreg s17  }
0x16: {  	s11 =	simm.s32 $0xA00;
	s12 =	simm.s32 $0x1200;
	[dreg:$0x1a] =	wrdreg s18  }
0x17: {  	s13 =	simm.s32 $0x1A00;
	s14 =	simm.s32 $0x2200;
	[dreg:$0x1b] =	wrdreg s19  }
0x18: {  	s15 =	simm.s32 $0x2A00;
	s16 =	simm.s32 $0x3200;
	[dreg:$0x1c] =	wrdreg s20  }
0x19: {  	s17 =	simm.s32 $0x3A00;
	s18 =	simm.s32 $0x4200;
	[dreg:$0x11] =	wrdreg s8  }
0x1a: {  	s19 =	simm.s32 $0x4A00;
	s23 =	simm.s32 $0x15200;
	[dreg:$0x13] =	wrdreg s9  }
0x1b: {  	s20 =	simm.s32 $0x5200;
	s24 =	simm.s32 $0x15A00;
	[dreg:$0x1f] =	wrdreg s23  }
0x1c: {  	s25 =	simm.s32 $0x16200;
	s26 =	simm.s32 $0x16A00;
	[smem:$0x7FA] =	sst s24  }
0x1d: {  	s29 =	simm.s32 $0x17200;
	s5 =	sadd.s32 $0x11A00, s5;
	[smem:$0x7FB] =	sst s25  }
0x1e: {  	s4 =	sadd.s32 $0x1000, s3;
	s21 =	sadd.s32 $0x2000, s3;
	[smem:$0x7FC] =	sst s26  }
0x1f: {  	s22 =	sadd.s32 $0x3000, s3;
	s1 =	ssub.s32 s1, s6;
	[smem:$0x7FD] =	sst s29  }
0x20: {  	s6 =	sadd.s32 $0x12400, s7;
	s9 =	simm.s32 $0x4;
	[dreg:$0x3] =	wrdreg s5  }
0x21: {  	s23 =	simm.s32 $0x6A00;
	s24 =	simm.s32 $0x7200;
	[dreg:$0x4] =	wrdreg s4  }
0x22: {  	s25 =	simm.s32 $0x7A00;
	s26 =	simm.s32 $0x8200;
	[dreg:$0x5] =	wrdreg s21  }
0x23: {  	[dreg:$0x6] =	wrdreg s22;
	s4 =	sadd.s32 $0x12200, s7;
	s5 =	sadd.s32 $0x12300, s7  }
0x24: {  	v2 =	vlaneseq.u32;
	s7 =	sadd.s32 $0x12500, s7;
	s8 =	smax.u32 s1, $0x1;
	s21 =	simm.s32 $0x14200  }
0x25: {  	vm0 =	vmmov $0xffff;
	v1 =	vshrl.u32 v2, $0x3;
	s22 =	simm.s32 $0x14A00;
	s1 =	simm.s32 $0x3;
	[dreg:$0x1d] =	wrdreg s21  }
0x26: {  	v0 =	vand.u32 $0x7, v2;
	v2 =	vor.u32 $0x8, v2;
	v1 =	vmul.u32 $0x8, v1;
	[dreg:$0x1e] =	wrdreg s22;
	s21 =	simm.s32 $0x5A00;
	s22 =	simm.s32 $0x6200  }
.LBB2_1:
0x27: {  	s0 =	rddreg [dreg:$0x3]  }
0x28: {  	[tilespmem:s2], [sflag:$0x4] =	stream.linear.gather [hbm4b:s0+s2], $0x200, $0x38;
	[tilespmem:$0x18200] =	vst v63  }
0x29: {  	_ =	swait.ge [sflag:s9], $0x200  }
0x2a: {  	[sflag:s9] =	ssyncset.done $0x0  }
0x2b: {  	[sflag:s9] =	ssyncadd.s32 $0xFFFFFE00  }
0x2c: {  	v3 =	vld [tilespmem:$0x0];
	_ =	sdelay $0x4  }
0x2d: {  	v4 =	vshll.u32 v3, $0x3  }
0x2e: {  	v3 =	vand.u32 $0x7, v3;
	v4 =	vand.u32 $0xFFFFFFC0, v4  }
0x2f: {  	v3 =	vor.u32 v3, v4  }
0x30: {  	v4 =	vperm.xlane v3, v0;
	_ =	sdelay $0x1  }
0x31: {  	v4 =	vadd.s32 v1, v4;
	_ =	sdelay $0x4  }
0x32: {  	[tilespmem:s10], [sflag:$0x1] =	stream.indirect_vreg.gather [hbm4b:s4+s2], $0x80, v4, vm0, $0xb8;
	[tilespmem:$0x18200] =	vst v63  }
0x33: {  	v3 =	vperm.xlane v3, v2  }
0x34: {  	[tilespmem:s11], [sflag:$0x1] =	stream.indirect_vreg.gather [hbm4b:s5+s2], $0x80, v4, vm0, $0xb8;
	[tilespmem:$0x18200] =	vst v63  }
0x35: {  	v3 =	vadd.s32 v1, v3  }
0x36: {  	[tilespmem:s12], [sflag:$0x1] =	stream.indirect_vreg.gather [hbm4b:s6+s2], $0x80, v4, vm0, $0xb8;
	[tilespmem:$0x18200] =	vst v63  }
0x37: {  	_ = 	snop  }
0x38: {  	[tilespmem:s13], [sflag:$0x1] =	stream.indirect_vreg.gather [hbm4b:s7+s2], $0x80, v4, vm0, $0xb8;
	[tilespmem:$0x18200] =	vst v63  }
0x39: {  	_ = 	snop  }
0x3a: {  	[tilespmem:s14], [sflag:$0x1] =	stream.indirect_vreg.gather [hbm4b:s4+s2], $0x80, v3, vm0, $0xb8;
	[tilespmem:$0x18200] =	vst v63  }
0x3b: {  	_ = 	snop  }
0x3c: {  	[tilespmem:s15], [sflag:$0x1] =	stream.indirect_vreg.gather [hbm4b:s5+s2], $0x80, v3, vm0, $0xb8;
	[tilespmem:$0x18200] =	vst v63  }
0x3d: {  	_ = 	snop  }
0x3e: {  	[tilespmem:s16], [sflag:$0x1] =	stream.indirect_vreg.gather [hbm4b:s6+s2], $0x80, v3, vm0, $0xb8;
	[tilespmem:$0x18200] =	vst v63  }
0x3f: {  	_ = 	snop  }
0x40: {  	[tilespmem:s17], [sflag:$0x1] =	stream.indirect_vreg.gather [hbm4b:s7+s2], $0x80, v3, vm0, $0xb8;
	[tilespmem:$0x18200] =	vst v63  }
0x41: {  	v3 =	vld [tilespmem:$0x10];
	_ =	sdelay $0x4  }
0x42: {  	v57 =	vshll.u32 v3, $0x3  }
0x43: {  	v3 =	vand.u32 $0x7, v3;
	v4 =	vand.u32 $0xFFFFFFC0, v57  }
0x44: {  	v3 =	vor.u32 v3, v4  }
0x45: {  	v4 =	vperm.xlane v3, v0;
	_ =	sdelay $0x1  }
0x46: {  	v4 =	vadd.s32 v1, v4;
	_ =	sdelay $0x4  }
0x47: {  	[tilespmem:s18], [sflag:$0x1] =	stream.indirect_vreg.gather [hbm4b:s4+s2], $0x80, v4, vm0, $0xb8;
	[tilespmem:$0x18200] =	vst v63  }
0x48: {  	v3 =	vperm.xlane v3, v2  }
0x49: {  	[tilespmem:s19], [sflag:$0x1] =	stream.indirect_vreg.gather [hbm4b:s5+s2], $0x80, v4, vm0, $0xb8;
	[tilespmem:$0x18200] =	vst v63  }
0x4a: {  	v3 =	vadd.s32 v1, v3  }
0x4b: {  	[tilespmem:s20], [sflag:$0x1] =	stream.indirect_vreg.gather [hbm4b:s6+s2], $0x80, v4, vm0, $0xb8;
	[tilespmem:$0x18200] =	vst v63  }
0x4c: {  	_ = 	snop  }
0x4d: {  	[tilespmem:s21], [sflag:$0x1] =	stream.indirect_vreg.gather [hbm4b:s7+s2], $0x80, v4, vm0, $0xb8;
	[tilespmem:$0x18200] =	vst v63  }
0x4e: {  	_ = 	snop  }
0x4f: {  	[tilespmem:s22], [sflag:$0x1] =	stream.indirect_vreg.gather [hbm4b:s4+s2], $0x80, v3, vm0, $0xb8;
	[tilespmem:$0x18200] =	vst v63  }
0x50: {  	_ = 	snop  }
0x51: {  	[tilespmem:s23], [sflag:$0x1] =	stream.indirect_vreg.gather [hbm4b:s5+s2], $0x80, v3, vm0, $0xb8;
	[tilespmem:$0x18200] =	vst v63  }
0x52: {  	_ = 	snop  }
0x53: {  	[tilespmem:s24], [sflag:$0x1] =	stream.indirect_vreg.gather [hbm4b:s6+s2], $0x80, v3, vm0, $0xb8;
	[tilespmem:$0x18200] =	vst v63  }
0x54: {  	_ = 	snop  }
0x55: {  	[tilespmem:s25], [sflag:$0x1] =	stream.indirect_vreg.gather [hbm4b:s7+s2], $0x80, v3, vm0, $0xb8;
	[tilespmem:$0x18200] =	vst v63  }
0x56: {  	v3 =	vld [tilespmem:$0x80];
	_ =	sdelay $0x4  }
0x57: {  	v58 =	vshll.u32 v3, $0x3  }
0x58: {  	v3 =	vand.u32 $0x7, v3;
	v4 =	vand.u32 $0xFFFFFFC0, v58  }
0x59: {  	v3 =	vor.u32 v3, v4  }
0x5a: {  	v4 =	vperm.xlane v3, v0;
	_ =	sdelay $0x1  }
0x5b: {  	v4 =	vadd.s32 v1, v4;
	_ =	sdelay $0x4  }
0x5c: {  	[tilespmem:s26], [sflag:$0x2] =	stream.indirect_vreg.gather [hbm4b:s4+s2], $0x80, v4, vm0, $0xb8;
	[tilespmem:$0x18200] =	vst v63  }
0x5d: {  	s0 =	rddreg [dreg:$0x7];
	v3 =	vperm.xlane v3, v2  }
0x5e: {  	[tilespmem:s0], [sflag:$0x2] =	stream.indirect_vreg.gather [hbm4b:s5+s2], $0x80, v4, vm0, $0xb8;
	[tilespmem:$0x18200] =	vst v63  }
0x5f: {  	s29 =	rddreg [dreg:$0x8];
	v3 =	vadd.s32 v1, v3  }
0x60: {  	[tilespmem:s29], [sflag:$0x2] =	stream.indirect_vreg.gather [hbm4b:s6+s2], $0x80, v4, vm0, $0xb8;
	[tilespmem:$0x18200] =	vst v63  }
0x61: {  	s0 =	rddreg [dreg:$0x9]  }
0x62: {  	[tilespmem:s0], [sflag:$0x2] =	stream.indirect_vreg.gather [hbm4b:s7+s2], $0x80, v4, vm0, $0xb8;
	[tilespmem:$0x18200] =	vst v63  }
0x63: {  	s29 =	rddreg [dreg:$0xa]  }
0x64: {  	[tilespmem:s29], [sflag:$0x2] =	stream.indirect_vreg.gather [hbm4b:s4+s2], $0x80, v3, vm0, $0xb8;
	[tilespmem:$0x18200] =	vst v63  }
0x65: {  	s0 =	rddreg [dreg:$0xb]  }
0x66: {  	[tilespmem:s0], [sflag:$0x2] =	stream.indirect_vreg.gather [hbm4b:s5+s2], $0x80, v3, vm0, $0xb8;
	[tilespmem:$0x18200] =	vst v63  }
0x67: {  	s29 =	rddreg [dreg:$0xc]  }
0x68: {  	[tilespmem:s29], [sflag:$0x2] =	stream.indirect_vreg.gather [hbm4b:s6+s2], $0x80, v3, vm0, $0xb8;
	[tilespmem:$0x18200] =	vst v63  }
0x69: {  	s0 =	rddreg [dreg:$0xd]  }
0x6a: {  	[tilespmem:s0], [sflag:$0x2] =	stream.indirect_vreg.gather [hbm4b:s7+s2], $0x80, v3, vm0, $0xb8;
	[tilespmem:$0x18200] =	vst v63  }
0x6b: {  	v3 =	vld [tilespmem:$0x90];
	_ =	sdelay $0x4  }
0x6c: {  	v59 =	vshll.u32 v3, $0x3  }
0x6d: {  	v3 =	vand.u32 $0x7, v3;
	v4 =	vand.u32 $0xFFFFFFC0, v59  }
0x6e: {  	v3 =	vor.u32 v3, v4  }
0x6f: {  	v4 =	vperm.xlane v3, v0;
	_ =	sdelay $0x1  }
0x70: {  	v4 =	vadd.s32 v1, v4;
	_ =	sdelay $0x3  }
0x71: {  	s0 =	rddreg [dreg:$0xe]  }
0x72: {  	[tilespmem:s0], [sflag:$0x2] =	stream.indirect_vreg.gather [hbm4b:s4+s2], $0x80, v4, vm0, $0xb8;
	[tilespmem:$0x18200] =	vst v63  }
0x73: {  	s29 =	rddreg [dreg:$0xf];
	v3 =	vperm.xlane v3, v2  }
0x74: {  	[tilespmem:s29], [sflag:$0x2] =	stream.indirect_vreg.gather [hbm4b:s5+s2], $0x80, v4, vm0, $0xb8;
	[tilespmem:$0x18200] =	vst v63  }
0x75: {  	v3 =	vadd.s32 v1, v3;
	s0 =	rddreg [dreg:$0x10]  }
0x76: {  	[tilespmem:s0], [sflag:$0x2] =	stream.indirect_vreg.gather [hbm4b:s6+s2], $0x80, v4, vm0, $0xb8;
	[tilespmem:$0x18200] =	vst v63  }
0x77: {  	s29 =	rddreg [dreg:$0x11]  }
0x78: {  	[tilespmem:s29], [sflag:$0x2] =	stream.indirect_vreg.gather [hbm4b:s7+s2], $0x80, v4, vm0, $0xb8;
	[tilespmem:$0x18200] =	vst v63  }
0x79: {  	s0 =	rddreg [dreg:$0x12]  }
0x7a: {  	[tilespmem:s0], [sflag:$0x2] =	stream.indirect_vreg.gather [hbm4b:s4+s2], $0x80, v3, vm0, $0xb8;
	[tilespmem:$0x18200] =	vst v63  }
0x7b: {  	s29 =	rddreg [dreg:$0x13]  }
0x7c: {  	[tilespmem:s29], [sflag:$0x2] =	stream.indirect_vreg.gather [hbm4b:s5+s2], $0x80, v3, vm0, $0xb8;
	[tilespmem:$0x18200] =	vst v63  }
0x7d: {  	s0 =	rddreg [dreg:$0x14]  }
0x7e: {  	[tilespmem:s0], [sflag:$0x2] =	stream.indirect_vreg.gather [hbm4b:s6+s2], $0x80, v3, vm0, $0xb8;
	[tilespmem:$0x18200] =	vst v63  }
0x7f: {  	s29 =	rddreg [dreg:$0x15]  }
0x80: {  	[tilespmem:s29], [sflag:$0x2] =	stream.indirect_vreg.gather [hbm4b:s7+s2], $0x80, v3, vm0, $0xb8;
	[tilespmem:$0x18200] =	vst v63  }
0x81: {  	v3 =	vld [tilespmem:$0x100];
	_ =	sdelay $0x4  }
0x82: {  	v60 =	vshll.u32 v3, $0x3  }
0x83: {  	v3 =	vand.u32 $0x7, v3;
	v4 =	vand.u32 $0xFFFFFFC0, v60  }
0x84: {  	v3 =	vor.u32 v3, v4  }
0x85: {  	v4 =	vperm.xlane v3, v0;
	_ =	sdelay $0x1  }
0x86: {  	v4 =	vadd.s32 v1, v4;
	_ =	sdelay $0x4  }
0x87: {  	[tilespmem:s28], [sflag:$0x3] =	stream.indirect_vreg.gather [hbm4b:s4+s2], $0x80, v4, vm0, $0xb8;
	[tilespmem:$0x18200] =	vst v63  }
0x88: {  	s0 =	rddreg [dreg:$0x16];
	v3 =	vperm.xlane v3, v2  }
0x89: {  	[tilespmem:s0], [sflag:$0x3] =	stream.indirect_vreg.gather [hbm4b:s5+s2], $0x80, v4, vm0, $0xb8;
	[tilespmem:$0x18200] =	vst v63  }
0x8a: {  	s29 =	rddreg [dreg:$0x17];
	v3 =	vadd.s32 v1, v3  }
0x8b: {  	[tilespmem:s29], [sflag:$0x3] =	stream.indirect_vreg.gather [hbm4b:s6+s2], $0x80, v4, vm0, $0xb8;
	[tilespmem:$0x18200] =	vst v63  }
0x8c: {  	s0 =	rddreg [dreg:$0x18]  }
0x8d: {  	[tilespmem:s0], [sflag:$0x3] =	stream.indirect_vreg.gather [hbm4b:s7+s2], $0x80, v4, vm0, $0xb8;
	[tilespmem:$0x18200] =	vst v63  }
0x8e: {  	s29 =	rddreg [dreg:$0x19]  }
0x8f: {  	[tilespmem:s29], [sflag:$0x3] =	stream.indirect_vreg.gather [hbm4b:s4+s2], $0x80, v3, vm0, $0xb8;
	[tilespmem:$0x18200] =	vst v63  }
0x90: {  	s0 =	rddreg [dreg:$0x1a]  }
0x91: {  	[tilespmem:s0], [sflag:$0x3] =	stream.indirect_vreg.gather [hbm4b:s5+s2], $0x80, v3, vm0, $0xb8;
	[tilespmem:$0x18200] =	vst v63  }
0x92: {  	s29 =	rddreg [dreg:$0x1b]  }
0x93: {  	[tilespmem:s29], [sflag:$0x3] =	stream.indirect_vreg.gather [hbm4b:s6+s2], $0x80, v3, vm0, $0xb8;
	[tilespmem:$0x18200] =	vst v63  }
0x94: {  	s0 =	rddreg [dreg:$0x1c]  }
0x95: {  	[tilespmem:s0], [sflag:$0x3] =	stream.indirect_vreg.gather [hbm4b:s7+s2], $0x80, v3, vm0, $0xb8;
	[tilespmem:$0x18200] =	vst v63  }
0x96: {  	v3 =	vld [tilespmem:$0x110];
	_ =	sdelay $0x4  }
0x97: {  	v61 =	vshll.u32 v3, $0x3  }
0x98: {  	v3 =	vand.u32 $0x7, v3;
	v4 =	vand.u32 $0xFFFFFFC0, v61  }
0x99: {  	v3 =	vor.u32 v3, v4  }
0x9a: {  	v4 =	vperm.xlane v3, v0;
	_ =	sdelay $0x1  }
0x9b: {  	v4 =	vadd.s32 v1, v4;
	_ =	sdelay $0x2  }
0x9c: {  	s29 =	rddreg [dreg:$0x1e]  }
0x9d: {  	s0 =	rddreg [dreg:$0x1d]  }
0x9e: {  	[tilespmem:s0], [sflag:$0x3] =	stream.indirect_vreg.gather [hbm4b:s4+s2], $0x80, v4, vm0, $0xb8;
	[tilespmem:$0x18200] =	vst v63  }
0x9f: {  	v3 =	vperm.xlane v3, v2;
	s0 =	rddreg [dreg:$0x1f]  }
0xa0: {  	[tilespmem:s29], [sflag:$0x3] =	stream.indirect_vreg.gather [hbm4b:s5+s2], $0x80, v4, vm0, $0xb8;
	[tilespmem:$0x18200] =	vst v63  }
0xa1: {  	v3 =	vadd.s32 v1, v3;
	s29 =	sld [smem:$0x7FA]  }
0xa2: {  	[tilespmem:s0], [sflag:$0x3] =	stream.indirect_vreg.gather [hbm4b:s6+s2], $0x80, v4, vm0, $0xb8;
	[tilespmem:$0x18200] =	vst v63  }
0xa3: {  	s0 =	sld [smem:$0x7FB]  }
0xa4: {  	[tilespmem:s29], [sflag:$0x3] =	stream.indirect_vreg.gather [hbm4b:s7+s2], $0x80, v4, vm0, $0xb8;
	[tilespmem:$0x18200] =	vst v63  }
0xa5: {  	s29 =	sld [smem:$0x7FC]  }
0xa6: {  	[tilespmem:s0], [sflag:$0x3] =	stream.indirect_vreg.gather [hbm4b:s4+s2], $0x80, v3, vm0, $0xb8;
	[tilespmem:$0x18200] =	vst v63  }
0xa7: {  	s0 =	sld [smem:$0x7FD]  }
0xa8: {  	[tilespmem:s29], [sflag:$0x3] =	stream.indirect_vreg.gather [hbm4b:s5+s2], $0x80, v3, vm0, $0xb8;
	[tilespmem:$0x18200] =	vst v63  }
0xa9: {  	_ = 	snop  }
0xaa: {  	[tilespmem:s0], [sflag:$0x3] =	stream.indirect_vreg.gather [hbm4b:s6+s2], $0x80, v3, vm0, $0xb8;
	[tilespmem:$0x18200] =	vst v63  }
0xab: {  	s29 =	simm.s32 $0x17A00  }
0xac: {  	[tilespmem:s29], [sflag:$0x3] =	stream.indirect_vreg.gather [hbm4b:s7+s2], $0x80, v3, vm0, $0xb8;
	[tilespmem:$0x18200] =	vst v63  }
0xad: {  	_ =	swait.ge [sflag:s30], $0x8000  }
0xae: {  	[sflag:s30] =	ssyncset.done $0x0  }
0xaf: {  	[sflag:s30] =	ssyncadd.s32 $0xFFFF8000  }
0xb0: {  	[hbm4b:s3+s2] =	stream.linear.scatter [tilespmem:s10], [sflag:$0x4], $0x8000, $0x38;
	[tilespmem:$0x18200] =	vst v63  }
0xb1: {  	_ =	swait.ge [sflag:s9], $0x8000  }
0xb2: {  	[sflag:s9] =	ssyncset.done $0x0  }
0xb3: {  	[sflag:s9] =	ssyncadd.s32 $0xFFFF8000  }
0xb4: {  	v3 =	vld [tilespmem:$0x180];
	_ =	sdelay $0x4  }
0xb5: {  	v62 =	vshll.u32 v3, $0x3  }
0xb6: {  	v3 =	vand.u32 $0x7, v3;
	v4 =	vand.u32 $0xFFFFFFC0, v62  }
0xb7: {  	v3 =	vor.u32 v3, v4  }
0xb8: {  	v4 =	vperm.xlane v3, v0;
	_ =	sdelay $0x1  }
0xb9: {  	v4 =	vadd.s32 v1, v4;
	_ =	sdelay $0x4  }
0xba: {  	[tilespmem:s10], [sflag:$0x1] =	stream.indirect_vreg.gather [hbm4b:s4+s2], $0x80, v4, vm0, $0xb8;
	[tilespmem:$0x18200] =	vst v63  }
0xbb: {  	v3 =	vperm.xlane v3, v2  }
0xbc: {  	[tilespmem:s11], [sflag:$0x1] =	stream.indirect_vreg.gather [hbm4b:s5+s2], $0x80, v4, vm0, $0xb8;
	[tilespmem:$0x18200] =	vst v63  }
0xbd: {  	v3 =	vadd.s32 v1, v3  }
0xbe: {  	[tilespmem:s12], [sflag:$0x1] =	stream.indirect_vreg.gather [hbm4b:s6+s2], $0x80, v4, vm0, $0xb8;
	[tilespmem:$0x18200] =	vst v63  }
0xbf: {  	_ = 	snop  }
0xc0: {  	[tilespmem:s13], [sflag:$0x1] =	stream.indirect_vreg.gather [hbm4b:s7+s2], $0x80, v4, vm0, $0xb8;
	[tilespmem:$0x18200] =	vst v63  }
0xc1: {  	_ = 	snop  }
0xc2: {  	[tilespmem:s14], [sflag:$0x1] =	stream.indirect_vreg.gather [hbm4b:s4+s2], $0x80, v3, vm0, $0xb8;
	[tilespmem:$0x18200] =	vst v63  }
0xc3: {  	_ = 	snop  }
0xc4: {  	[tilespmem:s15], [sflag:$0x1] =	stream.indirect_vreg.gather [hbm4b:s5+s2], $0x80, v3, vm0, $0xb8;
	[tilespmem:$0x18200] =	vst v63  }
0xc5: {  	_ = 	snop  }
0xc6: {  	[tilespmem:s16], [sflag:$0x1] =	stream.indirect_vreg.gather [hbm4b:s6+s2], $0x80, v3, vm0, $0xb8;
	[tilespmem:$0x18200] =	vst v63  }
0xc7: {  	_ = 	snop  }
0xc8: {  	[tilespmem:s17], [sflag:$0x1] =	stream.indirect_vreg.gather [hbm4b:s7+s2], $0x80, v3, vm0, $0xb8;
	[tilespmem:$0x18200] =	vst v63  }
0xc9: {  	v3 =	vld [tilespmem:$0x190];
	_ =	sdelay $0x4  }
0xca: {  	v63 =	vshll.u32 v3, $0x3  }
0xcb: {  	v3 =	vand.u32 $0x7, v3;
	v4 =	vand.u32 $0xFFFFFFC0, v63  }
0xcc: {  	v3 =	vor.u32 v3, v4  }
0xcd: {  	v4 =	vperm.xlane v3, v0;
	_ =	sdelay $0x1  }
0xce: {  	v4 =	vadd.s32 v1, v4;
	_ =	sdelay $0x4  }
0xcf: {  	[tilespmem:s18], [sflag:$0x1] =	stream.indirect_vreg.gather [hbm4b:s4+s2], $0x80, v4, vm0, $0xb8;
	[tilespmem:$0x18200] =	vst v63  }
0xd0: {  	v3 =	vperm.xlane v3, v2  }
0xd1: {  	[tilespmem:s19], [sflag:$0x1] =	stream.indirect_vreg.gather [hbm4b:s5+s2], $0x80, v4, vm0, $0xb8;
	[tilespmem:$0x18200] =	vst v63  }
0xd2: {  	v3 =	vadd.s32 v1, v3  }
0xd3: {  	[tilespmem:s20], [sflag:$0x1] =	stream.indirect_vreg.gather [hbm4b:s6+s2], $0x80, v4, vm0, $0xb8;
	[tilespmem:$0x18200] =	vst v63  }
0xd4: {  	_ = 	snop  }
0xd5: {  	[tilespmem:s21], [sflag:$0x1] =	stream.indirect_vreg.gather [hbm4b:s7+s2], $0x80, v4, vm0, $0xb8;
	[tilespmem:$0x18200] =	vst v63  }
0xd6: {  	_ = 	snop  }
0xd7: {  	[tilespmem:s22], [sflag:$0x1] =	stream.indirect_vreg.gather [hbm4b:s4+s2], $0x80, v3, vm0, $0xb8;
	[tilespmem:$0x18200] =	vst v63  }
0xd8: {  	_ = 	snop  }
0xd9: {  	[tilespmem:s23], [sflag:$0x1] =	stream.indirect_vreg.gather [hbm4b:s5+s2], $0x80, v3, vm0, $0xb8;
	[tilespmem:$0x18200] =	vst v63  }
0xda: {  	_ = 	snop  }
0xdb: {  	[tilespmem:s24], [sflag:$0x1] =	stream.indirect_vreg.gather [hbm4b:s6+s2], $0x80, v3, vm0, $0xb8;
	[tilespmem:$0x18200] =	vst v63  }
0xdc: {  	_ = 	snop  }
0xdd: {  	[tilespmem:s25], [sflag:$0x1] =	stream.indirect_vreg.gather [hbm4b:s7+s2], $0x80, v3, vm0, $0xb8;
	[tilespmem:$0x18200] =	vst v63  }
0xde: {  	_ =	swait.ge [sflag:s31], $0x8000  }
0xdf: {  	[sflag:s31] =	ssyncset.done $0x0  }
0xe0: {  	s29 =	rddreg [dreg:$0x4];
	[sflag:s31] =	ssyncadd.s32 $0xFFFF8000  }
0xe1: {  	[hbm4b:s29+s2] =	stream.linear.scatter [tilespmem:s26], [sflag:$0x4], $0x8000, $0x38;
	[tilespmem:$0x18200] =	vst v63  }
0xe2: {  	_ =	swait.ge [sflag:s9], $0x8000  }
0xe3: {  	[sflag:s9] =	ssyncset.done $0x0  }
0xe4: {  	[sflag:s9] =	ssyncadd.s32 $0xFFFF8000  }
0xe5: {  	_ =	swait.ge [sflag:s1], $0x8000  }
0xe6: {  	[sflag:s1] =	ssyncset.done $0x0  }
0xe7: {  	s29 =	rddreg [dreg:$0x5];
	[sflag:s1] =	ssyncadd.s32 $0xFFFF8000  }
0xe8: {  	[hbm4b:s29+s2] =	stream.linear.scatter [tilespmem:s28], [sflag:$0x4], $0x8000, $0x38;
	[tilespmem:$0x18200] =	vst v63  }
0xe9: {  	_ =	swait.ge [sflag:s9], $0x8000  }
0xea: {  	[sflag:s9] =	ssyncset.done $0x0  }
0xeb: {  	[sflag:s9] =	ssyncadd.s32 $0xFFFF8000  }
0xec: {  	_ =	swait.ge [sflag:s30], $0x8000  }
0xed: {  	p0 =	sne.s32 s8, $0x1;
	[sflag:s30] =	ssyncset.done $0x0  }
.Ltmp0:
0xee: {  	s29 =	rddreg [dreg:$0x6];
	[sflag:s30] =	ssyncadd.s32 $0xFFFF8000;
	(pc) =	sbr.rel @p0 .LBB2_1-.Ltmp0, $4  }
0xef: {  	[hbm4b:s29+s2] =	stream.linear.scatter [tilespmem:s10], [sflag:$0x4], $0x8000, $0x38;
	[tilespmem:$0x18200] =	vst v63  }
0xf0: {  	_ =	swait.ge [sflag:s9], $0x8000  }
0xf1: {  	[sflag:s9] =	ssyncset.done $0x0  }
0xf2: {  	s8 =	sadd.s32 $0xFFFFFFFF, s8;
	[sflag:s9] =	ssyncadd.s32 $0xFFFF8000  }
0xf3: {  	_ =	sfence.sel $0x180000  }
0xf4: {  	[bflag:$0x0] =	sbarrier.arrive $0xFFFF  }
0xf5: {  	_ =	strace $0x9000004A  }
0xf6: {  	s0 =	stileid.u32;
	[bflag:$0x2] =	sbarrier.arrive $0xFFFF  }
0xf7: {  	p0 =	sne.s32 s0, $0x0;
	s0 =	rddreg [dreg:$0x2]  }
0xf8: {  	s0 =	sadd.s32 @!p0 $0x100000, s0  }
0xf9: {  	[sflag:s0] =	ssyncadd.tile.s32 @!p0 $0x1;
	_ =	shalt  }
.Lfunc_end2:
_tile_overlayer_lowered:
.L_overlay_start_2:
0xfa: {  	(tag) =	ssettag $0x2  }
0xfb: {  	s0 =	rddreg [dreg:$0x0];
	s2 =	stileid.u32  }
0xfc: {  	s1 =	rddreg [dreg:$0x1];
	p0 =	sne.s32 s2, $0x0  }
0xfd: {  	s3 =	rddreg [dreg:$0x2];
	[bflag:$0x3] =	sbarrier.arrive $0xFFFF;
	s2 =	simm.s32 @!p0 $0x1C04  }
0xfe: {  	[timem:s3], [sflag:s2] =	dma.local @!p0 [hbm:s0], s1  }
0xff: {  	s0 =	simm.s32 @!p0 $0x4  }
0x100: {  	_ =	swait.ge @!p0 [sflag:s0], s1  }
0x101: {  	s1 =	ssub.s32 @!p0 $0x0, s1;
	[sflag:s0] =	ssyncset.done @!p0 $0x0  }
0x102: {  	[sflag:s0] =	ssyncadd.s32 @!p0 s1  }
0x103: {  	[bflag:$0x3] =	sbarrier.arrive $0xFFFF  }
0x104: {  	_ =	shalt  }

</sc_bundles>
